<compile_context>
chip_gen: v7x
topology: tpu7x:2x2x1
jax: 0.10.2.dev20260603
libtpu: 0.0.44.dev20260713+nightly
codegen_flags: <defaults>
</compile_context>

<pallas_src>
import functools

import jax
import jax.numpy as jnp
from jax import lax
from jax.experimental import pallas as pl
from jax.experimental.pallas import tpu as pltpu
from jax.experimental.pallas import tpu_sc as plsc

N_NODES = 10000
N_PAD = 10240
N_EDGES = 320000
D = 128
LANES = 16

NC = 2
NS = 16
NW = NC * NS
E_PER_W = N_EDGES // NW
CHUNK = 80
N_CHUNKS = E_PER_W // CHUNK
ROWS_PER_TILE = N_PAD // NS
WROWS = CHUNK

K = 4
N_PIPE = N_CHUNKS - 1
N_GROUPS = N_PIPE // K

_mesh = plsc.VectorSubcoreMesh(core_axis_name="c", subcore_axis_name="s")


@functools.partial(
    pl.kernel,
    out_type=jax.ShapeDtypeStruct((NC, N_PAD, D), jnp.float32),
    mesh=_mesh,
    scratch_types=[
        [pltpu.VMEM((CHUNK,), jnp.int32) for _ in range(K)],
        [pltpu.VMEM((CHUNK,), jnp.int32) for _ in range(K)],
        [pltpu.VMEM((CHUNK, D), jnp.float32) for _ in range(K)],
        pltpu.VMEM_SHARED((N_PAD, D), jnp.float32),
        pltpu.SemaphoreType.DMA((K,)),
        pltpu.SemaphoreType.DMA((K,)),
        pltpu.SemaphoreType.DMA((K,)),
    ],
)
def _mp_sc(x_hbm, src_hbm, dst_hbm, out_hbm, sbufs, dbufs, rbufs,
           acc_sh, isem, gsem, ssem):
    cid = lax.axis_index("c")
    sid = lax.axis_index("s")
    wid = sid * NC + cid
    e_base = wid * E_PER_W

    zeros = jnp.zeros((LANES,), jnp.float32)

    def _zero_row(i, _):
        for c in range(D // LANES):
            rbufs[3][i, pl.ds(c * LANES, LANES)] = zeros
        return 0

    def _zero_acc(j, _):
        pltpu.sync_copy(rbufs[3],
                        acc_sh.at[pl.ds(sid * ROWS_PER_TILE + j * WROWS, WROWS)])
        return 0

    def _fetch_idx(c, b):
        base = e_base + c * CHUNK
        pltpu.async_copy(src_hbm.at[pl.ds(base, CHUNK)], sbufs[b], isem.at[b])
        pltpu.async_copy(dst_hbm.at[pl.ds(base, CHUNK)], dbufs[b], isem.at[b])

    def _wait_idx(c, b):
        base = e_base + c * CHUNK
        pltpu.make_async_copy(src_hbm.at[pl.ds(base, CHUNK)], sbufs[b],
                              isem.at[b]).wait()
        pltpu.make_async_copy(dst_hbm.at[pl.ds(base, CHUNK)], dbufs[b],
                              isem.at[b]).wait()

    def _wait_scatter(b):
        pltpu.make_async_copy(rbufs[b], acc_sh.at[dbufs[b]], ssem.at[b]).wait()

    H = CHUNK // 2

    def _start_gather_streams(b):
        pltpu.async_copy(x_hbm.at[sbufs[b].at[pl.ds(0, H)]],
                         rbufs[b].at[pl.ds(0, H)], gsem.at[b])
        pltpu.async_copy(x_hbm.at[sbufs[b].at[pl.ds(H, H)]],
                         rbufs[b].at[pl.ds(H, H)], gsem.at[b])

    def _wait_gather(b):
        pltpu.make_async_copy(x_hbm.at[sbufs[b].at[pl.ds(0, H)]],
                              rbufs[b].at[pl.ds(0, H)], gsem.at[b]).wait()
        pltpu.make_async_copy(x_hbm.at[sbufs[b].at[pl.ds(H, H)]],
                              rbufs[b].at[pl.ds(H, H)], gsem.at[b]).wait()

    _fetch_idx(0, 0)
    _fetch_idx(1, 1)
    _wait_idx(0, 0)
    _start_gather_streams(0)

    lax.fori_loop(0, WROWS, _zero_row, 0)
    lax.fori_loop(0, ROWS_PER_TILE // WROWS, _zero_acc, 0)
    plsc.subcore_barrier()

    def _group(g, _):
        for b in range(K):
            nx = (b + 1) % K
            nx2 = (b + 2) % K

            if b >= 2:
                _wait_scatter(nx2)
            else:
                @pl.when(g >= 1)
                def _():
                    _wait_scatter(nx2)

            def _start_gather(g=g, b=b, nx=nx):
                _wait_idx(g * K + b + 1, nx)
                _start_gather_streams(nx)

            if b < 3:
                _start_gather()
            else:
                @pl.when(g < N_GROUPS - 1)
                def _():
                    _start_gather()

            if b < 2:
                _fetch_idx(g * K + b + 2, nx2)
            else:
                @pl.when(g < N_GROUPS - 1)
                def _():
                    _fetch_idx(g * K + b + 2, nx2)

            _wait_gather(b)
            pltpu.async_copy(rbufs[b], acc_sh.at[dbufs[b]], ssem.at[b], add=True)
        return 0

    lax.fori_loop(0, N_GROUPS, _group, 0)

    _wait_scatter(2)
    _wait_scatter(3)

    tbase = e_base + N_PIPE * CHUNK
    pltpu.sync_copy(src_hbm.at[pl.ds(tbase, CHUNK)], sbufs[0])
    pltpu.sync_copy(dst_hbm.at[pl.ds(tbase, CHUNK)], dbufs[0])
    pltpu.async_copy(x_hbm.at[sbufs[0]], rbufs[0], gsem.at[0]).wait()
    pltpu.sync_copy(rbufs[0], acc_sh.at[dbufs[0]], add=True)

    plsc.subcore_barrier()

    for j in range(ROWS_PER_TILE // WROWS):
        r0 = sid * ROWS_PER_TILE + j * WROWS
        pltpu.async_copy(acc_sh.at[pl.ds(r0, WROWS)],
                         out_hbm.at[cid].at[pl.ds(r0, WROWS)], gsem.at[0])
    for j in range(ROWS_PER_TILE // WROWS):
        r0 = sid * ROWS_PER_TILE + j * WROWS
        pltpu.make_async_copy(acc_sh.at[pl.ds(r0, WROWS)],
                              out_hbm.at[cid].at[pl.ds(r0, WROWS)],
                              gsem.at[0]).wait()


def _combine_body(p_ref, o_ref):
    o_ref[...] = p_ref[0] + p_ref[1]


_combine = pl.pallas_call(
    _combine_body,
    grid=(5,),
    in_specs=[pl.BlockSpec((NC, N_NODES // 5, D), lambda i: (0, i, 0))],
    out_specs=pl.BlockSpec((N_NODES // 5, D), lambda i: (i, 0)),
    out_shape=jax.ShapeDtypeStruct((N_NODES, D), jnp.float32),
)


@jax.jit
def kernel(x, edge_index):
    ei = edge_index.astype(jnp.int32)
    partials = _mp_sc(x, ei[0], ei[1])
    return _combine(partials)

# --- scband reference (transcript-rebuilt; emitter-appended) ---
"""Pipeline reference for scband-message-passing-7189775253659 (READ-ONLY COPY).

The authoritative reference and input builder live on the scoring server;
editing this copy changes nothing except your own understanding.
"""

import jax, jax.numpy as jnp
import numpy as np

N_NODES = 10000
N_EDGES = 320000
D_FEAT = 128


def setup_inputs(seed: int = 0) -> dict:
    key = jax.random.key(seed)
    k1, k2 = jax.random.split(key)
    x = jax.random.normal(k1, (N_NODES, D_FEAT), dtype=jnp.float32)
    edge_index = jax.random.randint(k2, (2, N_EDGES), 0, N_NODES, dtype=jnp.int64)
    return {"x": x, "edge_index": edge_index}


def reference(x, edge_index):
    # MessagePassing with aggr='sum', flow='source_to_target', node_dim=-2.
    # propagate(edge_index, x=x):
    #   message(x_j) = x_j  (gather source-node features along edges)
    #   aggregate     = scatter-add of messages into destination nodes
    #   update(out)   = out (identity)
    src = edge_index[0]  # j: source nodes (messages flow source -> target)
    dst = edge_index[1]  # i: target nodes
    messages = jnp.take(x, src, axis=0)          # gather: [E, d_feat]
    out = jax.ops.segment_sum(messages, dst, num_segments=x.shape[0])  # scatter-add
    return out

if __name__ == "__main__":
    import jax
    _d = setup_inputs()
    print(jax.jit(kernel)(*tuple(_d.values())))

</pallas_src>

<mosaic_0001>
#map = affine_map<(d0, d1) -> (0, 0)>
#map1 = affine_map<(d0, d1) -> (0)>
#map2 = affine_map<(d0, d1) -> (0, 0, 0)>
module attributes {stable_mosaic.version = 14 : i64} {
  func.func @_mp_sc(%arg0: i32, %arg1: i32, %arg2: memref<10000x128xf32, #tpu.memory_space<hbm>>, %arg3: memref<320000xi32, #tpu.memory_space<hbm>>, %arg4: memref<320000xi32, #tpu.memory_space<hbm>>, %arg5: memref<2x10240x128xf32, #tpu.memory_space<hbm>>, %arg6: memref<80xi32, #tpu.memory_space<vmem>>, %arg7: memref<80xi32, #tpu.memory_space<vmem>>, %arg8: memref<80xi32, #tpu.memory_space<vmem>>, %arg9: memref<80xi32, #tpu.memory_space<vmem>>, %arg10: memref<80xi32, #tpu.memory_space<vmem>>, %arg11: memref<80xi32, #tpu.memory_space<vmem>>, %arg12: memref<80xi32, #tpu.memory_space<vmem>>, %arg13: memref<80xi32, #tpu.memory_space<vmem>>, %arg14: memref<80x128xf32, #tpu.memory_space<vmem>>, %arg15: memref<80x128xf32, #tpu.memory_space<vmem>>, %arg16: memref<80x128xf32, #tpu.memory_space<vmem>>, %arg17: memref<80x128xf32, #tpu.memory_space<vmem>>, %arg18: memref<10240x128xf32, #tpu.memory_space<vmem_shared>>, %arg19: memref<4x!tpu.dma_semaphore, #tpu.memory_space<semaphore_mem>>, %arg20: memref<4x!tpu.dma_semaphore, #tpu.memory_space<semaphore_mem>>, %arg21: memref<4x!tpu.dma_semaphore, #tpu.memory_space<semaphore_mem>>) attributes {dimension_semantics = [#tpu.dimension_semantics<core_parallel>, #tpu.dimension_semantics<subcore_parallel>], iteration_bounds = array<i64: 2, 16>, scalar_prefetch = 0 : i64, scratch_operands = 16 : i64, tpu.core_type = #tpu.core_type<sc_vector_subcore>, window_params = [{transform_indices = #map}, {transform_indices = #map1}, {transform_indices = #map1}, {transform_indices = #map2}]} {
    %mul3A = arith.constant 2 : i32
    %mul3A_0 = arith.muli %arg1, %mul3A : i32
    %add3A = arith.addi %mul3A_0, %arg0 : i32
    %mul3A_1 = arith.constant 10000 : i32
    %mul3A_2 = arith.muli %add3A, %mul3A_1 : i32
    %broadcast_in_dim3A = arith.constant 0.000000e+00 : f32
    %broadcast_in_dim3A_3 = vector.broadcast %broadcast_in_dim3A : f32 to vector<16xf32>
    %add3A_4 = arith.constant 0 : i32
    %add3A_5 = arith.addi %mul3A_2, %add3A_4 : i32
    %dma_start3A = arith.constant 0 : i32
    %dma_start3A_6 = tpu.memref_slice %arg3[%add3A_5] : memref<320000xi32, #tpu.memory_space<hbm>> -> memref<80xi32, #tpu.memory_space<hbm>>
    %dma_start3A_7 = tpu.memref_slice %arg19[%dma_start3A] : memref<4x!tpu.dma_semaphore, #tpu.memory_space<semaphore_mem>> -> memref<1x!tpu.dma_semaphore, #tpu.memory_space<semaphore_mem>>
    %dma_start3A_8 = tpu.memref_squeeze %dma_start3A_7 : memref<1x!tpu.dma_semaphore, #tpu.memory_space<semaphore_mem>> -> memref<!tpu.dma_semaphore, #tpu.memory_space<semaphore_mem>>
    %dma_start3A_9 = tpu.memref_slice %arg3[%add3A_5] : memref<320000xi32, #tpu.memory_space<hbm>> -> memref<80xi32, #tpu.memory_space<hbm>>
    tpu.enqueue_dma source(%dma_start3A_9 : memref<80xi32, #tpu.memory_space<hbm>>) target(%arg6 : memref<80xi32, #tpu.memory_space<vmem>>) target_semaphore(%dma_start3A_8 : memref<!tpu.dma_semaphore, #tpu.memory_space<semaphore_mem>>)
    %dma_start3A_10 = arith.constant 0 : i32
    %dma_start3A_11 = tpu.memref_slice %arg4[%add3A_5] : memref<320000xi32, #tpu.memory_space<hbm>> -> memref<80xi32, #tpu.memory_space<hbm>>
    %dma_start3A_12 = tpu.memref_slice %arg19[%dma_start3A_10] : memref<4x!tpu.dma_semaphore, #tpu.memory_space<semaphore_mem>> -> memref<1x!tpu.dma_semaphore, #tpu.memory_space<semaphore_mem>>
    %dma_start3A_13 = tpu.memref_squeeze %dma_start3A_12 : memref<1x!tpu.dma_semaphore, #tpu.memory_space<semaphore_mem>> -> memref<!tpu.dma_semaphore, #tpu.memory_space<semaphore_mem>>
    %dma_start3A_14 = tpu.memref_slice %arg4[%add3A_5] : memref<320000xi32, #tpu.memory_space<hbm>> -> memref<80xi32, #tpu.memory_space<hbm>>
    tpu.enqueue_dma source(%dma_start3A_14 : memref<80xi32, #tpu.memory_space<hbm>>) target(%arg10 : memref<80xi32, #tpu.memory_space<vmem>>) target_semaphore(%dma_start3A_13 : memref<!tpu.dma_semaphore, #tpu.memory_space<semaphore_mem>>)
    %add3A_15 = arith.constant 80 : i32
    %add3A_16 = arith.addi %mul3A_2, %add3A_15 : i32
    %dma_start3A_17 = arith.constant 1 : i32
    %dma_start3A_18 = tpu.memref_slice %arg3[%add3A_16] : memref<320000xi32, #tpu.memory_space<hbm>> -> memref<80xi32, #tpu.memory_space<hbm>>
    %dma_start3A_19 = tpu.memref_slice %arg19[%dma_start3A_17] : memref<4x!tpu.dma_semaphore, #tpu.memory_space<semaphore_mem>> -> memref<1x!tpu.dma_semaphore, #tpu.memory_space<semaphore_mem>>
    %dma_start3A_20 = tpu.memref_squeeze %dma_start3A_19 : memref<1x!tpu.dma_semaphore, #tpu.memory_space<semaphore_mem>> -> memref<!tpu.dma_semaphore, #tpu.memory_space<semaphore_mem>>
    %dma_start3A_21 = tpu.memref_slice %arg3[%add3A_16] : memref<320000xi32, #tpu.memory_space<hbm>> -> memref<80xi32, #tpu.memory_space<hbm>>
    tpu.enqueue_dma source(%dma_start3A_21 : memref<80xi32, #tpu.memory_space<hbm>>) target(%arg7 : memref<80xi32, #tpu.memory_space<vmem>>) target_semaphore(%dma_start3A_20 : memref<!tpu.dma_semaphore, #tpu.memory_space<semaphore_mem>>)
    %dma_start3A_22 = arith.constant 1 : i32
    %dma_start3A_23 = tpu.memref_slice %arg4[%add3A_16] : memref<320000xi32, #tpu.memory_space<hbm>> -> memref<80xi32, #tpu.memory_space<hbm>>
    %dma_start3A_24 = tpu.memref_slice %arg19[%dma_start3A_22] : memref<4x!tpu.dma_semaphore, #tpu.memory_space<semaphore_mem>> -> memref<1x!tpu.dma_semaphore, #tpu.memory_space<semaphore_mem>>
    %dma_start3A_25 = tpu.memref_squeeze %dma_start3A_24 : memref<1x!tpu.dma_semaphore, #tpu.memory_space<semaphore_mem>> -> memref<!tpu.dma_semaphore, #tpu.memory_space<semaphore_mem>>
    %dma_start3A_26 = tpu.memref_slice %arg4[%add3A_16] : memref<320000xi32, #tpu.memory_space<hbm>> -> memref<80xi32, #tpu.memory_space<hbm>>
    tpu.enqueue_dma source(%dma_start3A_26 : memref<80xi32, #tpu.memory_space<hbm>>) target(%arg11 : memref<80xi32, #tpu.memory_space<vmem>>) target_semaphore(%dma_start3A_25 : memref<!tpu.dma_semaphore, #tpu.memory_space<semaphore_mem>>)
    %add3A_27 = arith.constant 0 : i32
    %add3A_28 = arith.addi %mul3A_2, %add3A_27 : i32
    %dma_wait3A = arith.constant 0 : i32
    %dma_wait3A_29 = tpu.memref_slice %arg3[%add3A_28] : memref<320000xi32, #tpu.memory_space<hbm>> -> memref<80xi32, #tpu.memory_space<hbm>>
    %dma_wait3A_30 = tpu.memref_slice %arg19[%dma_wait3A] : memref<4x!tpu.dma_semaphore, #tpu.memory_space<semaphore_mem>> -> memref<1x!tpu.dma_semaphore, #tpu.memory_space<semaphore_mem>>
    %dma_wait3A_31 = tpu.memref_squeeze %dma_wait3A_30 : memref<1x!tpu.dma_semaphore, #tpu.memory_space<semaphore_mem>> -> memref<!tpu.dma_semaphore, #tpu.memory_space<semaphore_mem>>
    %dma_wait3A_32 = tpu.memref_slice %arg3[%add3A_28] : memref<320000xi32, #tpu.memory_space<hbm>> -> memref<80xi32, #tpu.memory_space<hbm>>
    tpu.wait_dma2 semaphore(%dma_wait3A_31 : memref<!tpu.dma_semaphore, #tpu.memory_space<semaphore_mem>>) src(%dma_wait3A_32 : memref<80xi32, #tpu.memory_space<hbm>>) dst(%arg6 : memref<80xi32, #tpu.memory_space<vmem>>)
    %dma_wait3A_33 = arith.constant 0 : i32
    %dma_wait3A_34 = tpu.memref_slice %arg4[%add3A_28] : memref<320000xi32, #tpu.memory_space<hbm>> -> memref<80xi32, #tpu.memory_space<hbm>>
    %dma_wait3A_35 = tpu.memref_slice %arg19[%dma_wait3A_33] : memref<4x!tpu.dma_semaphore, #tpu.memory_space<semaphore_mem>> -> memref<1x!tpu.dma_semaphore, #tpu.memory_space<semaphore_mem>>
    %dma_wait3A_36 = tpu.memref_squeeze %dma_wait3A_35 : memref<1x!tpu.dma_semaphore, #tpu.memory_space<semaphore_mem>> -> memref<!tpu.dma_semaphore, #tpu.memory_space<semaphore_mem>>
    %dma_wait3A_37 = tpu.memref_slice %arg4[%add3A_28] : memref<320000xi32, #tpu.memory_space<hbm>> -> memref<80xi32, #tpu.memory_space<hbm>>
    tpu.wait_dma2 semaphore(%dma_wait3A_36 : memref<!tpu.dma_semaphore, #tpu.memory_space<semaphore_mem>>) src(%dma_wait3A_37 : memref<80xi32, #tpu.memory_space<hbm>>) dst(%arg10 : memref<80xi32, #tpu.memory_space<vmem>>)
    %dma_start3A_38 = arith.constant 0 : i32
    %dma_start3A_39 = arith.constant 0 : i32
    %dma_start3A_40 = arith.constant 0 : i32
    %dma_start3A_41 = tpu.memref_slice %arg14[%dma_start3A_39, %dma_start3A_40] : memref<80x128xf32, #tpu.memory_space<vmem>> -> memref<40x128xf32, #tpu.memory_space<vmem>>
    %dma_start3A_42 = arith.constant 0 : i32
    %dma_start3A_43 = tpu.memref_slice %arg6[%dma_start3A_42] : memref<80xi32, #tpu.memory_space<vmem>> -> memref<40xi32, #tpu.memory_space<vmem>>
    %dma_start3A_44 = arith.constant 0 : i32
    %dma_start3A_45 = arith.constant 0 : i32
    %dma_start3A_46 = tpu.memref_slice %arg2[%dma_start3A_44, %dma_start3A_45] : memref<10000x128xf32, #tpu.memory_space<hbm>> -> memref<10000x128xf32, #tpu.memory_space<hbm>>
    %dma_start3A_47 = tpu.memref_slice %arg20[%dma_start3A_38] : memref<4x!tpu.dma_semaphore, #tpu.memory_space<semaphore_mem>> -> memref<1x!tpu.dma_semaphore, #tpu.memory_space<semaphore_mem>>
    %dma_start3A_48 = tpu.memref_squeeze %dma_start3A_47 : memref<1x!tpu.dma_semaphore, #tpu.memory_space<semaphore_mem>> -> memref<!tpu.dma_semaphore, #tpu.memory_space<semaphore_mem>>
    tpu.enqueue_indirect_dma source(%dma_start3A_46 : memref<10000x128xf32, #tpu.memory_space<hbm>>) target(%dma_start3A_41 : memref<40x128xf32, #tpu.memory_space<vmem>>) offsets(%dma_start3A_43 : memref<40xi32, #tpu.memory_space<vmem>>) semaphore(%dma_start3A_48 : memref<!tpu.dma_semaphore, #tpu.memory_space<semaphore_mem>>)
    %dma_start3A_49 = arith.constant 0 : i32
    %dma_start3A_50 = arith.constant 40 : i32
    %dma_start3A_51 = arith.constant 0 : i32
    %dma_start3A_52 = tpu.memref_slice %arg14[%dma_start3A_50, %dma_start3A_51] : memref<80x128xf32, #tpu.memory_space<vmem>> -> memref<40x128xf32, #tpu.memory_space<vmem>>
    %dma_start3A_53 = arith.constant 40 : i32
    %dma_start3A_54 = tpu.memref_slice %arg6[%dma_start3A_53] : memref<80xi32, #tpu.memory_space<vmem>> -> memref<40xi32, #tpu.memory_space<vmem>>
    %dma_start3A_55 = arith.constant 0 : i32
    %dma_start3A_56 = arith.constant 0 : i32
    %dma_start3A_57 = tpu.memref_slice %arg2[%dma_start3A_55, %dma_start3A_56] : memref<10000x128xf32, #tpu.memory_space<hbm>> -> memref<10000x128xf32, #tpu.memory_space<hbm>>
    %dma_start3A_58 = tpu.memref_slice %arg20[%dma_start3A_49] : memref<4x!tpu.dma_semaphore, #tpu.memory_space<semaphore_mem>> -> memref<1x!tpu.dma_semaphore, #tpu.memory_space<semaphore_mem>>
    %dma_start3A_59 = tpu.memref_squeeze %dma_start3A_58 : memref<1x!tpu.dma_semaphore, #tpu.memory_space<semaphore_mem>> -> memref<!tpu.dma_semaphore, #tpu.memory_space<semaphore_mem>>
    tpu.enqueue_indirect_dma source(%dma_start3A_57 : memref<10000x128xf32, #tpu.memory_space<hbm>>) target(%dma_start3A_52 : memref<40x128xf32, #tpu.memory_space<vmem>>) offsets(%dma_start3A_54 : memref<40xi32, #tpu.memory_space<vmem>>) semaphore(%dma_start3A_59 : memref<!tpu.dma_semaphore, #tpu.memory_space<semaphore_mem>>)
    %scan3A = arith.constant 0 : i32
    %scan3A_60 = arith.constant 0 : i32
    %scan3A_61 = arith.constant 80 : i32
    %scan3A_62 = arith.addi %scan3A_60, %scan3A_61 : i32
    %scan3A_63 = arith.constant 1 : i32
    %scan3A_64 = scf.for %scan3A_347 = %scan3A_60 to %scan3A_62 step %scan3A_63 iter_args(%scan3A_348 = %scan3A) -> (i32)  : i32 {
      %swap3A = arith.index_cast %scan3A_347 : i32 to index
      %swap3A_349 = arith.constant 0 : index
      %swap3A_350 = tpu.vector_load %arg17[%swap3A, %swap3A_349] {strides = array<i32>} : memref<80x128xf32, #tpu.memory_space<vmem>>, vector<1x16xf32>,
      %swap3A_351 = vector.shape_cast %swap3A_350 : vector<1x16xf32> to vector<16xf32>
      %swap3A_352 = vector.shape_cast %broadcast_in_dim3A_3 : vector<16xf32> to vector<1x16xf32>
      tpu.vector_store %arg17[%swap3A, %swap3A_349], %swap3A_352 {strides = array<i32>} : memref<80x128xf32, #tpu.memory_space<vmem>>, vector<1x16xf32>,
      %swap3A_353 = arith.index_cast %scan3A_347 : i32 to index
      %swap3A_354 = arith.constant 16 : index
      %swap3A_355 = tpu.vector_load %arg17[%swap3A_353, %swap3A_354] {strides = array<i32>} : memref<80x128xf32, #tpu.memory_space<vmem>>, vector<1x16xf32>,
      %swap3A_356 = vector.shape_cast %swap3A_355 : vector<1x16xf32> to vector<16xf32>
      %swap3A_357 = vector.shape_cast %broadcast_in_dim3A_3 : vector<16xf32> to vector<1x16xf32>
      tpu.vector_store %arg17[%swap3A_353, %swap3A_354], %swap3A_357 {strides = array<i32>} : memref<80x128xf32, #tpu.memory_space<vmem>>, vector<1x16xf32>,
      %swap3A_358 = arith.index_cast %scan3A_347 : i32 to index
      %swap3A_359 = arith.constant 32 : index
      %swap3A_360 = tpu.vector_load %arg17[%swap3A_358, %swap3A_359] {strides = array<i32>} : memref<80x128xf32, #tpu.memory_space<vmem>>, vector<1x16xf32>,
      %swap3A_361 = vector.shape_cast %swap3A_360 : vector<1x16xf32> to vector<16xf32>
      %swap3A_362 = vector.shape_cast %broadcast_in_dim3A_3 : vector<16xf32> to vector<1x16xf32>
      tpu.vector_store %arg17[%swap3A_358, %swap3A_359], %swap3A_362 {strides = array<i32>} : memref<80x128xf32, #tpu.memory_space<vmem>>, vector<1x16xf32>,
      %swap3A_363 = arith.index_cast %scan3A_347 : i32 to index
      %swap3A_364 = arith.constant 48 : index
      %swap3A_365 = tpu.vector_load %arg17[%swap3A_363, %swap3A_364] {strides = array<i32>} : memref<80x128xf32, #tpu.memory_space<vmem>>, vector<1x16xf32>,
      %swap3A_366 = vector.shape_cast %swap3A_365 : vector<1x16xf32> to vector<16xf32>
      %swap3A_367 = vector.shape_cast %broadcast_in_dim3A_3 : vector<16xf32> to vector<1x16xf32>
      tpu.vector_store %arg17[%swap3A_363, %swap3A_364], %swap3A_367 {strides = array<i32>} : memref<80x128xf32, #tpu.memory_space<vmem>>, vector<1x16xf32>,
      %swap3A_368 = arith.index_cast %scan3A_347 : i32 to index
      %swap3A_369 = arith.constant 64 : index
      %swap3A_370 = tpu.vector_load %arg17[%swap3A_368, %swap3A_369] {strides = array<i32>} : memref<80x128xf32, #tpu.memory_space<vmem>>, vector<1x16xf32>,
      %swap3A_371 = vector.shape_cast %swap3A_370 : vector<1x16xf32> to vector<16xf32>
      %swap3A_372 = vector.shape_cast %broadcast_in_dim3A_3 : vector<16xf32> to vector<1x16xf32>
      tpu.vector_store %arg17[%swap3A_368, %swap3A_369], %swap3A_372 {strides = array<i32>} : memref<80x128xf32, #tpu.memory_space<vmem>>, vector<1x16xf32>,
      %swap3A_373 = arith.index_cast %scan3A_347 : i32 to index
      %swap3A_374 = arith.constant 80 : index
      %swap3A_375 = tpu.vector_load %arg17[%swap3A_373, %swap3A_374] {strides = array<i32>} : memref<80x128xf32, #tpu.memory_space<vmem>>, vector<1x16xf32>,
      %swap3A_376 = vector.shape_cast %swap3A_375 : vector<1x16xf32> to vector<16xf32>
      %swap3A_377 = vector.shape_cast %broadcast_in_dim3A_3 : vector<16xf32> to vector<1x16xf32>
      tpu.vector_store %arg17[%swap3A_373, %swap3A_374], %swap3A_377 {strides = array<i32>} : memref<80x128xf32, #tpu.memory_space<vmem>>, vector<1x16xf32>,
      %swap3A_378 = arith.index_cast %scan3A_347 : i32 to index
      %swap3A_379 = arith.constant 96 : index
      %swap3A_380 = tpu.vector_load %arg17[%swap3A_378, %swap3A_379] {strides = array<i32>} : memref<80x128xf32, #tpu.memory_space<vmem>>, vector<1x16xf32>,
      %swap3A_381 = vector.shape_cast %swap3A_380 : vector<1x16xf32> to vector<16xf32>
      %swap3A_382 = vector.shape_cast %broadcast_in_dim3A_3 : vector<16xf32> to vector<1x16xf32>
      tpu.vector_store %arg17[%swap3A_378, %swap3A_379], %swap3A_382 {strides = array<i32>} : memref<80x128xf32, #tpu.memory_space<vmem>>, vector<1x16xf32>,
      %swap3A_383 = arith.index_cast %scan3A_347 : i32 to index
      %swap3A_384 = arith.constant 112 : index
      %swap3A_385 = tpu.vector_load %arg17[%swap3A_383, %swap3A_384] {strides = array<i32>} : memref<80x128xf32, #tpu.memory_space<vmem>>, vector<1x16xf32>,
      %swap3A_386 = vector.shape_cast %swap3A_385 : vector<1x16xf32> to vector<16xf32>
      %swap3A_387 = vector.shape_cast %broadcast_in_dim3A_3 : vector<16xf32> to vector<1x16xf32>
      tpu.vector_store %arg17[%swap3A_383, %swap3A_384], %swap3A_387 {strides = array<i32>} : memref<80x128xf32, #tpu.memory_space<vmem>>, vector<1x16xf32>,
      %scan3A_388 = arith.constant 0 : i32
      scf.yield %scan3A_388 : i32
    }
    %scan3A_65 = arith.constant 80 : i32
    %scan3A_66 = arith.constant 0 : i32
    %scan3A_67 = arith.constant 0 : i32
    %scan3A_68 = arith.constant 8 : i32
    %scan3A_69 = arith.addi %scan3A_67, %scan3A_68 : i32
    %scan3A_70 = arith.constant 1 : i32
    %scan3A_71 = scf.for %scan3A_347 = %scan3A_67 to %scan3A_69 step %scan3A_70 iter_args(%scan3A_348 = %scan3A_66) -> (i32)  : i32 {
      %mul3A_349 = arith.constant 640 : i32
      %mul3A_350 = arith.muli %arg1, %mul3A_349 : i32
      %mul3A_351 = arith.constant 80 : i32
      %mul3A_352 = arith.muli %scan3A_347, %mul3A_351 : i32
      %add3A_353 = arith.addi %mul3A_350, %mul3A_352 : i32
      "tpu.region"() ({
        %run_scoped3A = tpu.sem_alloc : memref<!tpu.dma_semaphore, #tpu.memory_space<semaphore_mem>>
        %dma_start3A_355 = arith.constant 0 : i32
        %dma_start3A_356 = tpu.memref_slice %arg18[%add3A_353, %dma_start3A_355] : memref<10240x128xf32, #tpu.memory_space<vmem_shared>> -> memref<80x128xf32, #tpu.memory_space<vmem_shared>>
        %dma_start3A_357 = arith.constant 0 : i32
        %dma_start3A_358 = tpu.memref_slice %arg18[%add3A_353, %dma_start3A_357] : memref<10240x128xf32, #tpu.memory_space<vmem_shared>> -> memref<80x128xf32, #tpu.memory_space<vmem_shared>>
        tpu.enqueue_dma source(%arg17 : memref<80x128xf32, #tpu.memory_space<vmem>>) target(%dma_start3A_358 : memref<80x128xf32, #tpu.memory_space<vmem_shared>>) target_semaphore(%run_scoped3A : memref<!tpu.dma_semaphore, #tpu.memory_space<semaphore_mem>>)
        %dma_wait3A_359 = arith.constant 0 : i32
        %dma_wait3A_360 = tpu.memref_slice %arg18[%add3A_353, %dma_wait3A_359] : memref<10240x128xf32, #tpu.memory_space<vmem_shared>> -> memref<80x128xf32, #tpu.memory_space<vmem_shared>>
        %dma_wait3A_361 = arith.constant 0 : i32
        %dma_wait3A_362 = tpu.memref_slice %arg18[%add3A_353, %dma_wait3A_361] : memref<10240x128xf32, #tpu.memory_space<vmem_shared>> -> memref<80x128xf32, #tpu.memory_space<vmem_shared>>
        tpu.wait_dma2 semaphore(%run_scoped3A : memref<!tpu.dma_semaphore, #tpu.memory_space<semaphore_mem>>) src(%arg17 : memref<80x128xf32, #tpu.memory_space<vmem>>) dst(%dma_wait3A_362 : memref<80x128xf32, #tpu.memory_space<vmem_shared>>)
        tpu.yield
      }) : () -> ()
      %scan3A_354 = arith.constant 0 : i32
      scf.yield %scan3A_354 : i32
    }
    %scan3A_72 = arith.constant 8 : i32
    %barrier3A = arith.constant 0 : index
    tpu.barrier barrier_id(%barrier3A)
    %scan3A_73 = arith.constant 0 : i32
    %scan3A_74 = arith.constant 0 : i32
    %scan3A_75 = arith.constant 31 : i32
    %scan3A_76 = arith.addi %scan3A_74, %scan3A_75 : i32
    %scan3A_77 = arith.constant 1 : i32
    %scan3A_78 = scf.for %scan3A_347 = %scan3A_74 to %scan3A_76 step %scan3A_77 iter_args(%scan3A_348 = %scan3A_73) -> (i32)  : i32 {
      %ge3A = arith.constant 1 : i32
      %ge3A_349 = arith.cmpi sge, %scan3A_347, %ge3A : i32
      %convert_element_type3A = arith.extui %ge3A_349 : i1 to i32
      %cond3A = arith.constant 0 : i32
      %cond3A_350 = arith.cmpi ne, %convert_element_type3A, %cond3A : i32
      scf.if %cond3A_350 {
        %dma_wait3A_656 = arith.constant 2 : i32
        %dma_wait3A_657 = arith.constant 0 : i32
        %dma_wait3A_658 = arith.constant 0 : i32
        %dma_wait3A_659 = tpu.memref_slice %arg18[%dma_wait3A_657, %dma_wait3A_658] : memref<10240x128xf32, #tpu.memory_space<vmem_shared>> -> memref<10240x128xf32, #tpu.memory_space<vmem_shared>>
        %dma_wait3A_660 = tpu.memref_slice %arg21[%dma_wait3A_656] : memref<4x!tpu.dma_semaphore, #tpu.memory_space<semaphore_mem>> -> memref<1x!tpu.dma_semaphore, #tpu.memory_space<semaphore_mem>>
        %dma_wait3A_661 = tpu.memref_squeeze %dma_wait3A_660 : memref<1x!tpu.dma_semaphore, #tpu.memory_space<semaphore_mem>> -> memref<!tpu.dma_semaphore, #tpu.memory_space<semaphore_mem>>
        tpu.wait_indirect_dma semaphore(%dma_wait3A_661 : memref<!tpu.dma_semaphore, #tpu.memory_space<semaphore_mem>>) src(%arg16 : memref<80x128xf32, #tpu.memory_space<vmem>>) dst(%dma_wait3A_659 : memref<10240x128xf32, #tpu.memory_space<vmem_shared>>)
      } else {
      }
      %mul3A_351 = arith.constant 4 : i32
      %mul3A_352 = arith.muli %scan3A_347, %mul3A_351 : i32
      %add3A_353 = arith.constant 0 : i32
      %add3A_354 = arith.addi %mul3A_352, %add3A_353 : i32
      %add3A_355 = arith.constant 1 : i32
      %add3A_356 = arith.addi %add3A_354, %add3A_355 : i32
      %mul3A_357 = arith.constant 80 : i32
      %mul3A_358 = arith.muli %add3A_356, %mul3A_357 : i32
      %add3A_359 = arith.addi %mul3A_2, %mul3A_358 : i32
      %dma_wait3A_360 = arith.constant 1 : i32
      %dma_wait3A_361 = tpu.memref_slice %arg3[%add3A_359] : memref<320000xi32, #tpu.memory_space<hbm>> -> memref<80xi32, #tpu.memory_space<hbm>>
      %dma_wait3A_362 = tpu.memref_slice %arg19[%dma_wait3A_360] : memref<4x!tpu.dma_semaphore, #tpu.memory_space<semaphore_mem>> -> memref<1x!tpu.dma_semaphore, #tpu.memory_space<semaphore_mem>>
      %dma_wait3A_363 = tpu.memref_squeeze %dma_wait3A_362 : memref<1x!tpu.dma_semaphore, #tpu.memory_space<semaphore_mem>> -> memref<!tpu.dma_semaphore, #tpu.memory_space<semaphore_mem>>
      %dma_wait3A_364 = tpu.memref_slice %arg3[%add3A_359] : memref<320000xi32, #tpu.memory_space<hbm>> -> memref<80xi32, #tpu.memory_space<hbm>>
      tpu.wait_dma2 semaphore(%dma_wait3A_363 : memref<!tpu.dma_semaphore, #tpu.memory_space<semaphore_mem>>) src(%dma_wait3A_364 : memref<80xi32, #tpu.memory_space<hbm>>) dst(%arg7 : memref<80xi32, #tpu.memory_space<vmem>>)
      %dma_wait3A_365 = arith.constant 1 : i32
      %dma_wait3A_366 = tpu.memref_slice %arg4[%add3A_359] : memref<320000xi32, #tpu.memory_space<hbm>> -> memref<80xi32, #tpu.memory_space<hbm>>
      %dma_wait3A_367 = tpu.memref_slice %arg19[%dma_wait3A_365] : memref<4x!tpu.dma_semaphore, #tpu.memory_space<semaphore_mem>> -> memref<1x!tpu.dma_semaphore, #tpu.memory_space<semaphore_mem>>
      %dma_wait3A_368 = tpu.memref_squeeze %dma_wait3A_367 : memref<1x!tpu.dma_semaphore, #tpu.memory_space<semaphore_mem>> -> memref<!tpu.dma_semaphore, #tpu.memory_space<semaphore_mem>>
      %dma_wait3A_369 = tpu.memref_slice %arg4[%add3A_359] : memref<320000xi32, #tpu.memory_space<hbm>> -> memref<80xi32, #tpu.memory_space<hbm>>
      tpu.wait_dma2 semaphore(%dma_wait3A_368 : memref<!tpu.dma_semaphore, #tpu.memory_space<semaphore_mem>>) src(%dma_wait3A_369 : memref<80xi32, #tpu.memory_space<hbm>>) dst(%arg11 : memref<80xi32, #tpu.memory_space<vmem>>)
      %dma_start3A_370 = arith.constant 1 : i32
      %dma_start3A_371 = arith.constant 0 : i32
      %dma_start3A_372 = arith.constant 0 : i32
      %dma_start3A_373 = tpu.memref_slice %arg15[%dma_start3A_371, %dma_start3A_372] : memref<80x128xf32, #tpu.memory_space<vmem>> -> memref<40x128xf32, #tpu.memory_space<vmem>>
      %dma_start3A_374 = arith.constant 0 : i32
      %dma_start3A_375 = tpu.memref_slice %arg7[%dma_start3A_374] : memref<80xi32, #tpu.memory_space<vmem>> -> memref<40xi32, #tpu.memory_space<vmem>>
      %dma_start3A_376 = arith.constant 0 : i32
      %dma_start3A_377 = arith.constant 0 : i32
      %dma_start3A_378 = tpu.memref_slice %arg2[%dma_start3A_376, %dma_start3A_377] : memref<10000x128xf32, #tpu.memory_space<hbm>> -> memref<10000x128xf32, #tpu.memory_space<hbm>>
      %dma_start3A_379 = tpu.memref_slice %arg20[%dma_start3A_370] : memref<4x!tpu.dma_semaphore, #tpu.memory_space<semaphore_mem>> -> memref<1x!tpu.dma_semaphore, #tpu.memory_space<semaphore_mem>>
      %dma_start3A_380 = tpu.memref_squeeze %dma_start3A_379 : memref<1x!tpu.dma_semaphore, #tpu.memory_space<semaphore_mem>> -> memref<!tpu.dma_semaphore, #tpu.memory_space<semaphore_mem>>
      tpu.enqueue_indirect_dma source(%dma_start3A_378 : memref<10000x128xf32, #tpu.memory_space<hbm>>) target(%dma_start3A_373 : memref<40x128xf32, #tpu.memory_space<vmem>>) offsets(%dma_start3A_375 : memref<40xi32, #tpu.memory_space<vmem>>) semaphore(%dma_start3A_380 : memref<!tpu.dma_semaphore, #tpu.memory_space<semaphore_mem>>)
      %dma_start3A_381 = arith.constant 1 : i32
      %dma_start3A_382 = arith.constant 40 : i32
      %dma_start3A_383 = arith.constant 0 : i32
      %dma_start3A_384 = tpu.memref_slice %arg15[%dma_start3A_382, %dma_start3A_383] : memref<80x128xf32, #tpu.memory_space<vmem>> -> memref<40x128xf32, #tpu.memory_space<vmem>>
      %dma_start3A_385 = arith.constant 40 : i32
      %dma_start3A_386 = tpu.memref_slice %arg7[%dma_start3A_385] : memref<80xi32, #tpu.memory_space<vmem>> -> memref<40xi32, #tpu.memory_space<vmem>>
      %dma_start3A_387 = arith.constant 0 : i32
      %dma_start3A_388 = arith.constant 0 : i32
      %dma_start3A_389 = tpu.memref_slice %arg2[%dma_start3A_387, %dma_start3A_388] : memref<10000x128xf32, #tpu.memory_space<hbm>> -> memref<10000x128xf32, #tpu.memory_space<hbm>>
      %dma_start3A_390 = tpu.memref_slice %arg20[%dma_start3A_381] : memref<4x!tpu.dma_semaphore, #tpu.memory_space<semaphore_mem>> -> memref<1x!tpu.dma_semaphore, #tpu.memory_space<semaphore_mem>>
      %dma_start3A_391 = tpu.memref_squeeze %dma_start3A_390 : memref<1x!tpu.dma_semaphore, #tpu.memory_space<semaphore_mem>> -> memref<!tpu.dma_semaphore, #tpu.memory_space<semaphore_mem>>
      tpu.enqueue_indirect_dma source(%dma_start3A_389 : memref<10000x128xf32, #tpu.memory_space<hbm>>) target(%dma_start3A_384 : memref<40x128xf32, #tpu.memory_space<vmem>>) offsets(%dma_start3A_386 : memref<40xi32, #tpu.memory_space<vmem>>) semaphore(%dma_start3A_391 : memref<!tpu.dma_semaphore, #tpu.memory_space<semaphore_mem>>)
      %mul3A_392 = arith.constant 4 : i32
      %mul3A_393 = arith.muli %scan3A_347, %mul3A_392 : i32
      %add3A_394 = arith.constant 0 : i32
      %add3A_395 = arith.addi %mul3A_393, %add3A_394 : i32
      %add3A_396 = arith.constant 2 : i32
      %add3A_397 = arith.addi %add3A_395, %add3A_396 : i32
      %mul3A_398 = arith.constant 80 : i32
      %mul3A_399 = arith.muli %add3A_397, %mul3A_398 : i32
      %add3A_400 = arith.addi %mul3A_2, %mul3A_399 : i32
      %dma_start3A_401 = arith.constant 2 : i32
      %dma_start3A_402 = tpu.memref_slice %arg3[%add3A_400] : memref<320000xi32, #tpu.memory_space<hbm>> -> memref<80xi32, #tpu.memory_space<hbm>>
      %dma_start3A_403 = tpu.memref_slice %arg19[%dma_start3A_401] : memref<4x!tpu.dma_semaphore, #tpu.memory_space<semaphore_mem>> -> memref<1x!tpu.dma_semaphore, #tpu.memory_space<semaphore_mem>>
      %dma_start3A_404 = tpu.memref_squeeze %dma_start3A_403 : memref<1x!tpu.dma_semaphore, #tpu.memory_space<semaphore_mem>> -> memref<!tpu.dma_semaphore, #tpu.memory_space<semaphore_mem>>
      %dma_start3A_405 = tpu.memref_slice %arg3[%add3A_400] : memref<320000xi32, #tpu.memory_space<hbm>> -> memref<80xi32, #tpu.memory_space<hbm>>
      tpu.enqueue_dma source(%dma_start3A_405 : memref<80xi32, #tpu.memory_space<hbm>>) target(%arg8 : memref<80xi32, #tpu.memory_space<vmem>>) target_semaphore(%dma_start3A_404 : memref<!tpu.dma_semaphore, #tpu.memory_space<semaphore_mem>>)
      %dma_start3A_406 = arith.constant 2 : i32
      %dma_start3A_407 = tpu.memref_slice %arg4[%add3A_400] : memref<320000xi32, #tpu.memory_space<hbm>> -> memref<80xi32, #tpu.memory_space<hbm>>
      %dma_start3A_408 = tpu.memref_slice %arg19[%dma_start3A_406] : memref<4x!tpu.dma_semaphore, #tpu.memory_space<semaphore_mem>> -> memref<1x!tpu.dma_semaphore, #tpu.memory_space<semaphore_mem>>
      %dma_start3A_409 = tpu.memref_squeeze %dma_start3A_408 : memref<1x!tpu.dma_semaphore, #tpu.memory_space<semaphore_mem>> -> memref<!tpu.dma_semaphore, #tpu.memory_space<semaphore_mem>>
      %dma_start3A_410 = tpu.memref_slice %arg4[%add3A_400] : memref<320000xi32, #tpu.memory_space<hbm>> -> memref<80xi32, #tpu.memory_space<hbm>>
      tpu.enqueue_dma source(%dma_start3A_410 : memref<80xi32, #tpu.memory_space<hbm>>) target(%arg12 : memref<80xi32, #tpu.memory_space<vmem>>) target_semaphore(%dma_start3A_409 : memref<!tpu.dma_semaphore, #tpu.memory_space<semaphore_mem>>)
      %dma_wait3A_411 = arith.constant 0 : i32
      %dma_wait3A_412 = arith.constant 0 : i32
      %dma_wait3A_413 = arith.constant 0 : i32
      %dma_wait3A_414 = tpu.memref_slice %arg14[%dma_wait3A_412, %dma_wait3A_413] : memref<80x128xf32, #tpu.memory_space<vmem>> -> memref<40x128xf32, #tpu.memory_space<vmem>>
      %dma_wait3A_415 = arith.constant 0 : i32
      %dma_wait3A_416 = tpu.memref_slice %arg6[%dma_wait3A_415] : memref<80xi32, #tpu.memory_space<vmem>> -> memref<40xi32, #tpu.memory_space<vmem>>
      %dma_wait3A_417 = arith.constant 0 : i32
      %dma_wait3A_418 = arith.constant 0 : i32
      %dma_wait3A_419 = tpu.memref_slice %arg2[%dma_wait3A_417, %dma_wait3A_418] : memref<10000x128xf32, #tpu.memory_space<hbm>> -> memref<10000x128xf32, #tpu.memory_space<hbm>>
      %dma_wait3A_420 = tpu.memref_slice %arg20[%dma_wait3A_411] : memref<4x!tpu.dma_semaphore, #tpu.memory_space<semaphore_mem>> -> memref<1x!tpu.dma_semaphore, #tpu.memory_space<semaphore_mem>>
      %dma_wait3A_421 = tpu.memref_squeeze %dma_wait3A_420 : memref<1x!tpu.dma_semaphore, #tpu.memory_space<semaphore_mem>> -> memref<!tpu.dma_semaphore, #tpu.memory_space<semaphore_mem>>
      tpu.wait_indirect_dma semaphore(%dma_wait3A_421 : memref<!tpu.dma_semaphore, #tpu.memory_space<semaphore_mem>>) src(%dma_wait3A_419 : memref<10000x128xf32, #tpu.memory_space<hbm>>) dst(%dma_wait3A_414 : memref<40x128xf32, #tpu.memory_space<vmem>>)
      %dma_wait3A_422 = arith.constant 0 : i32
      %dma_wait3A_423 = arith.constant 40 : i32
      %dma_wait3A_424 = arith.constant 0 : i32
      %dma_wait3A_425 = tpu.memref_slice %arg14[%dma_wait3A_423, %dma_wait3A_424] : memref<80x128xf32, #tpu.memory_space<vmem>> -> memref<40x128xf32, #tpu.memory_space<vmem>>
      %dma_wait3A_426 = arith.constant 40 : i32
      %dma_wait3A_427 = tpu.memref_slice %arg6[%dma_wait3A_426] : memref<80xi32, #tpu.memory_space<vmem>> -> memref<40xi32, #tpu.memory_space<vmem>>
      %dma_wait3A_428 = arith.constant 0 : i32
      %dma_wait3A_429 = arith.constant 0 : i32
      %dma_wait3A_430 = tpu.memref_slice %arg2[%dma_wait3A_428, %dma_wait3A_429] : memref<10000x128xf32, #tpu.memory_space<hbm>> -> memref<10000x128xf32, #tpu.memory_space<hbm>>
      %dma_wait3A_431 = tpu.memref_slice %arg20[%dma_wait3A_422] : memref<4x!tpu.dma_semaphore, #tpu.memory_space<semaphore_mem>> -> memref<1x!tpu.dma_semaphore, #tpu.memory_space<semaphore_mem>>
      %dma_wait3A_432 = tpu.memref_squeeze %dma_wait3A_431 : memref<1x!tpu.dma_semaphore, #tpu.memory_space<semaphore_mem>> -> memref<!tpu.dma_semaphore, #tpu.memory_space<semaphore_mem>>
      tpu.wait_indirect_dma semaphore(%dma_wait3A_432 : memref<!tpu.dma_semaphore, #tpu.memory_space<semaphore_mem>>) src(%dma_wait3A_430 : memref<10000x128xf32, #tpu.memory_space<hbm>>) dst(%dma_wait3A_425 : memref<40x128xf32, #tpu.memory_space<vmem>>)
      %dma_start3A_433 = arith.constant 0 : i32
      %dma_start3A_434 = arith.constant 0 : i32
      %dma_start3A_435 = arith.constant 0 : i32
      %dma_start3A_436 = tpu.memref_slice %arg18[%dma_start3A_434, %dma_start3A_435] : memref<10240x128xf32, #tpu.memory_space<vmem_shared>> -> memref<10240x128xf32, #tpu.memory_space<vmem_shared>>
      %dma_start3A_437 = tpu.memref_slice %arg21[%dma_start3A_433] : memref<4x!tpu.dma_semaphore, #tpu.memory_space<semaphore_mem>> -> memref<1x!tpu.dma_semaphore, #tpu.memory_space<semaphore_mem>>
      %dma_start3A_438 = tpu.memref_squeeze %dma_start3A_437 : memref<1x!tpu.dma_semaphore, #tpu.memory_space<semaphore_mem>> -> memref<!tpu.dma_semaphore, #tpu.memory_space<semaphore_mem>>
      tpu.enqueue_indirect_dma source(%arg14 : memref<80x128xf32, #tpu.memory_space<vmem>>) target(%dma_start3A_436 : memref<10240x128xf32, #tpu.memory_space<vmem_shared>>) offsets(%arg10 : memref<80xi32, #tpu.memory_space<vmem>>) semaphore(%dma_start3A_438 : memref<!tpu.dma_semaphore, #tpu.memory_space<semaphore_mem>>) {add = true}
      %ge3A_439 = arith.constant 1 : i32
      %ge3A_440 = arith.cmpi sge, %scan3A_347, %ge3A_439 : i32
      %convert_element_type3A_441 = arith.extui %ge3A_440 : i1 to i32
      %cond3A_442 = arith.constant 0 : i32
      %cond3A_443 = arith.cmpi ne, %convert_element_type3A_441, %cond3A_442 : i32
      scf.if %cond3A_443 {
        %dma_wait3A_656 = arith.constant 3 : i32
        %dma_wait3A_657 = arith.constant 0 : i32
        %dma_wait3A_658 = arith.constant 0 : i32
        %dma_wait3A_659 = tpu.memref_slice %arg18[%dma_wait3A_657, %dma_wait3A_658] : memref<10240x128xf32, #tpu.memory_space<vmem_shared>> -> memref<10240x128xf32, #tpu.memory_space<vmem_shared>>
        %dma_wait3A_660 = tpu.memref_slice %arg21[%dma_wait3A_656] : memref<4x!tpu.dma_semaphore, #tpu.memory_space<semaphore_mem>> -> memref<1x!tpu.dma_semaphore, #tpu.memory_space<semaphore_mem>>
        %dma_wait3A_661 = tpu.memref_squeeze %dma_wait3A_660 : memref<1x!tpu.dma_semaphore, #tpu.memory_space<semaphore_mem>> -> memref<!tpu.dma_semaphore, #tpu.memory_space<semaphore_mem>>
        tpu.wait_indirect_dma semaphore(%dma_wait3A_661 : memref<!tpu.dma_semaphore, #tpu.memory_space<semaphore_mem>>) src(%arg17 : memref<80x128xf32, #tpu.memory_space<vmem>>) dst(%dma_wait3A_659 : memref<10240x128xf32, #tpu.memory_space<vmem_shared>>)
      } else {
      }
      %mul3A_444 = arith.constant 4 : i32
      %mul3A_445 = arith.muli %scan3A_347, %mul3A_444 : i32
      %add3A_446 = arith.constant 1 : i32
      %add3A_447 = arith.addi %mul3A_445, %add3A_446 : i32
      %add3A_448 = arith.constant 1 : i32
      %add3A_449 = arith.addi %add3A_447, %add3A_448 : i32
      %mul3A_450 = arith.constant 80 : i32
      %mul3A_451 = arith.muli %add3A_449, %mul3A_450 : i32
      %add3A_452 = arith.addi %mul3A_2, %mul3A_451 : i32
      %dma_wait3A_453 = arith.constant 2 : i32
      %dma_wait3A_454 = tpu.memref_slice %arg3[%add3A_452] : memref<320000xi32, #tpu.memory_space<hbm>> -> memref<80xi32, #tpu.memory_space<hbm>>
      %dma_wait3A_455 = tpu.memref_slice %arg19[%dma_wait3A_453] : memref<4x!tpu.dma_semaphore, #tpu.memory_space<semaphore_mem>> -> memref<1x!tpu.dma_semaphore, #tpu.memory_space<semaphore_mem>>
      %dma_wait3A_456 = tpu.memref_squeeze %dma_wait3A_455 : memref<1x!tpu.dma_semaphore, #tpu.memory_space<semaphore_mem>> -> memref<!tpu.dma_semaphore, #tpu.memory_space<semaphore_mem>>
      %dma_wait3A_457 = tpu.memref_slice %arg3[%add3A_452] : memref<320000xi32, #tpu.memory_space<hbm>> -> memref<80xi32, #tpu.memory_space<hbm>>
      tpu.wait_dma2 semaphore(%dma_wait3A_456 : memref<!tpu.dma_semaphore, #tpu.memory_space<semaphore_mem>>) src(%dma_wait3A_457 : memref<80xi32, #tpu.memory_space<hbm>>) dst(%arg8 : memref<80xi32, #tpu.memory_space<vmem>>)
      %dma_wait3A_458 = arith.constant 2 : i32
      %dma_wait3A_459 = tpu.memref_slice %arg4[%add3A_452] : memref<320000xi32, #tpu.memory_space<hbm>> -> memref<80xi32, #tpu.memory_space<hbm>>
      %dma_wait3A_460 = tpu.memref_slice %arg19[%dma_wait3A_458] : memref<4x!tpu.dma_semaphore, #tpu.memory_space<semaphore_mem>> -> memref<1x!tpu.dma_semaphore, #tpu.memory_space<semaphore_mem>>
      %dma_wait3A_461 = tpu.memref_squeeze %dma_wait3A_460 : memref<1x!tpu.dma_semaphore, #tpu.memory_space<semaphore_mem>> -> memref<!tpu.dma_semaphore, #tpu.memory_space<semaphore_mem>>
      %dma_wait3A_462 = tpu.memref_slice %arg4[%add3A_452] : memref<320000xi32, #tpu.memory_space<hbm>> -> memref<80xi32, #tpu.memory_space<hbm>>
      tpu.wait_dma2 semaphore(%dma_wait3A_461 : memref<!tpu.dma_semaphore, #tpu.memory_space<semaphore_mem>>) src(%dma_wait3A_462 : memref<80xi32, #tpu.memory_space<hbm>>) dst(%arg12 : memref<80xi32, #tpu.memory_space<vmem>>)
      %dma_start3A_463 = arith.constant 2 : i32
      %dma_start3A_464 = arith.constant 0 : i32
      %dma_start3A_465 = arith.constant 0 : i32
      %dma_start3A_466 = tpu.memref_slice %arg16[%dma_start3A_464, %dma_start3A_465] : memref<80x128xf32, #tpu.memory_space<vmem>> -> memref<40x128xf32, #tpu.memory_space<vmem>>
      %dma_start3A_467 = arith.constant 0 : i32
      %dma_start3A_468 = tpu.memref_slice %arg8[%dma_start3A_467] : memref<80xi32, #tpu.memory_space<vmem>> -> memref<40xi32, #tpu.memory_space<vmem>>
      %dma_start3A_469 = arith.constant 0 : i32
      %dma_start3A_470 = arith.constant 0 : i32
      %dma_start3A_471 = tpu.memref_slice %arg2[%dma_start3A_469, %dma_start3A_470] : memref<10000x128xf32, #tpu.memory_space<hbm>> -> memref<10000x128xf32, #tpu.memory_space<hbm>>
      %dma_start3A_472 = tpu.memref_slice %arg20[%dma_start3A_463] : memref<4x!tpu.dma_semaphore, #tpu.memory_space<semaphore_mem>> -> memref<1x!tpu.dma_semaphore, #tpu.memory_space<semaphore_mem>>
      %dma_start3A_473 = tpu.memref_squeeze %dma_start3A_472 : memref<1x!tpu.dma_semaphore, #tpu.memory_space<semaphore_mem>> -> memref<!tpu.dma_semaphore, #tpu.memory_space<semaphore_mem>>
      tpu.enqueue_indirect_dma source(%dma_start3A_471 : memref<10000x128xf32, #tpu.memory_space<hbm>>) target(%dma_start3A_466 : memref<40x128xf32, #tpu.memory_space<vmem>>) offsets(%dma_start3A_468 : memref<40xi32, #tpu.memory_space<vmem>>) semaphore(%dma_start3A_473 : memref<!tpu.dma_semaphore, #tpu.memory_space<semaphore_mem>>)
      %dma_start3A_474 = arith.constant 2 : i32
      %dma_start3A_475 = arith.constant 40 : i32
      %dma_start3A_476 = arith.constant 0 : i32
      %dma_start3A_477 = tpu.memref_slice %arg16[%dma_start3A_475, %dma_start3A_476] : memref<80x128xf32, #tpu.memory_space<vmem>> -> memref<40x128xf32, #tpu.memory_space<vmem>>
      %dma_start3A_478 = arith.constant 40 : i32
      %dma_start3A_479 = tpu.memref_slice %arg8[%dma_start3A_478] : memref<80xi32, #tpu.memory_space<vmem>> -> memref<40xi32, #tpu.memory_space<vmem>>
      %dma_start3A_480 = arith.constant 0 : i32
      %dma_start3A_481 = arith.constant 0 : i32
      %dma_start3A_482 = tpu.memref_slice %arg2[%dma_start3A_480, %dma_start3A_481] : memref<10000x128xf32, #tpu.memory_space<hbm>> -> memref<10000x128xf32, #tpu.memory_space<hbm>>
      %dma_start3A_483 = tpu.memref_slice %arg20[%dma_start3A_474] : memref<4x!tpu.dma_semaphore, #tpu.memory_space<semaphore_mem>> -> memref<1x!tpu.dma_semaphore, #tpu.memory_space<semaphore_mem>>
      %dma_start3A_484 = tpu.memref_squeeze %dma_start3A_483 : memref<1x!tpu.dma_semaphore, #tpu.memory_space<semaphore_mem>> -> memref<!tpu.dma_semaphore, #tpu.memory_space<semaphore_mem>>
      tpu.enqueue_indirect_dma source(%dma_start3A_482 : memref<10000x128xf32, #tpu.memory_space<hbm>>) target(%dma_start3A_477 : memref<40x128xf32, #tpu.memory_space<vmem>>) offsets(%dma_start3A_479 : memref<40xi32, #tpu.memory_space<vmem>>) semaphore(%dma_start3A_484 : memref<!tpu.dma_semaphore, #tpu.memory_space<semaphore_mem>>)
      %mul3A_485 = arith.constant 4 : i32
      %mul3A_486 = arith.muli %scan3A_347, %mul3A_485 : i32
      %add3A_487 = arith.constant 1 : i32
      %add3A_488 = arith.addi %mul3A_486, %add3A_487 : i32
      %add3A_489 = arith.constant 2 : i32
      %add3A_490 = arith.addi %add3A_488, %add3A_489 : i32
      %mul3A_491 = arith.constant 80 : i32
      %mul3A_492 = arith.muli %add3A_490, %mul3A_491 : i32
      %add3A_493 = arith.addi %mul3A_2, %mul3A_492 : i32
      %dma_start3A_494 = arith.constant 3 : i32
      %dma_start3A_495 = tpu.memref_slice %arg3[%add3A_493] : memref<320000xi32, #tpu.memory_space<hbm>> -> memref<80xi32, #tpu.memory_space<hbm>>
      %dma_start3A_496 = tpu.memref_slice %arg19[%dma_start3A_494] : memref<4x!tpu.dma_semaphore, #tpu.memory_space<semaphore_mem>> -> memref<1x!tpu.dma_semaphore, #tpu.memory_space<semaphore_mem>>
      %dma_start3A_497 = tpu.memref_squeeze %dma_start3A_496 : memref<1x!tpu.dma_semaphore, #tpu.memory_space<semaphore_mem>> -> memref<!tpu.dma_semaphore, #tpu.memory_space<semaphore_mem>>
      %dma_start3A_498 = tpu.memref_slice %arg3[%add3A_493] : memref<320000xi32, #tpu.memory_space<hbm>> -> memref<80xi32, #tpu.memory_space<hbm>>
      tpu.enqueue_dma source(%dma_start3A_498 : memref<80xi32, #tpu.memory_space<hbm>>) target(%arg9 : memref<80xi32, #tpu.memory_space<vmem>>) target_semaphore(%dma_start3A_497 : memref<!tpu.dma_semaphore, #tpu.memory_space<semaphore_mem>>)
      %dma_start3A_499 = arith.constant 3 : i32
      %dma_start3A_500 = tpu.memref_slice %arg4[%add3A_493] : memref<320000xi32, #tpu.memory_space<hbm>> -> memref<80xi32, #tpu.memory_space<hbm>>
      %dma_start3A_501 = tpu.memref_slice %arg19[%dma_start3A_499] : memref<4x!tpu.dma_semaphore, #tpu.memory_space<semaphore_mem>> -> memref<1x!tpu.dma_semaphore, #tpu.memory_space<semaphore_mem>>
      %dma_start3A_502 = tpu.memref_squeeze %dma_start3A_501 : memref<1x!tpu.dma_semaphore, #tpu.memory_space<semaphore_mem>> -> memref<!tpu.dma_semaphore, #tpu.memory_space<semaphore_mem>>
      %dma_start3A_503 = tpu.memref_slice %arg4[%add3A_493] : memref<320000xi32, #tpu.memory_space<hbm>> -> memref<80xi32, #tpu.memory_space<hbm>>
      tpu.enqueue_dma source(%dma_start3A_503 : memref<80xi32, #tpu.memory_space<hbm>>) target(%arg13 : memref<80xi32, #tpu.memory_space<vmem>>) target_semaphore(%dma_start3A_502 : memref<!tpu.dma_semaphore, #tpu.memory_space<semaphore_mem>>)
      %dma_wait3A_504 = arith.constant 1 : i32
      %dma_wait3A_505 = arith.constant 0 : i32
      %dma_wait3A_506 = arith.constant 0 : i32
      %dma_wait3A_507 = tpu.memref_slice %arg15[%dma_wait3A_505, %dma_wait3A_506] : memref<80x128xf32, #tpu.memory_space<vmem>> -> memref<40x128xf32, #tpu.memory_space<vmem>>
      %dma_wait3A_508 = arith.constant 0 : i32
      %dma_wait3A_509 = tpu.memref_slice %arg7[%dma_wait3A_508] : memref<80xi32, #tpu.memory_space<vmem>> -> memref<40xi32, #tpu.memory_space<vmem>>
      %dma_wait3A_510 = arith.constant 0 : i32
      %dma_wait3A_511 = arith.constant 0 : i32
      %dma_wait3A_512 = tpu.memref_slice %arg2[%dma_wait3A_510, %dma_wait3A_511] : memref<10000x128xf32, #tpu.memory_space<hbm>> -> memref<10000x128xf32, #tpu.memory_space<hbm>>
      %dma_wait3A_513 = tpu.memref_slice %arg20[%dma_wait3A_504] : memref<4x!tpu.dma_semaphore, #tpu.memory_space<semaphore_mem>> -> memref<1x!tpu.dma_semaphore, #tpu.memory_space<semaphore_mem>>
      %dma_wait3A_514 = tpu.memref_squeeze %dma_wait3A_513 : memref<1x!tpu.dma_semaphore, #tpu.memory_space<semaphore_mem>> -> memref<!tpu.dma_semaphore, #tpu.memory_space<semaphore_mem>>
      tpu.wait_indirect_dma semaphore(%dma_wait3A_514 : memref<!tpu.dma_semaphore, #tpu.memory_space<semaphore_mem>>) src(%dma_wait3A_512 : memref<10000x128xf32, #tpu.memory_space<hbm>>) dst(%dma_wait3A_507 : memref<40x128xf32, #tpu.memory_space<vmem>>)
      %dma_wait3A_515 = arith.constant 1 : i32
      %dma_wait3A_516 = arith.constant 40 : i32
      %dma_wait3A_517 = arith.constant 0 : i32
      %dma_wait3A_518 = tpu.memref_slice %arg15[%dma_wait3A_516, %dma_wait3A_517] : memref<80x128xf32, #tpu.memory_space<vmem>> -> memref<40x128xf32, #tpu.memory_space<vmem>>
      %dma_wait3A_519 = arith.constant 40 : i32
      %dma_wait3A_520 = tpu.memref_slice %arg7[%dma_wait3A_519] : memref<80xi32, #tpu.memory_space<vmem>> -> memref<40xi32, #tpu.memory_space<vmem>>
      %dma_wait3A_521 = arith.constant 0 : i32
      %dma_wait3A_522 = arith.constant 0 : i32
      %dma_wait3A_523 = tpu.memref_slice %arg2[%dma_wait3A_521, %dma_wait3A_522] : memref<10000x128xf32, #tpu.memory_space<hbm>> -> memref<10000x128xf32, #tpu.memory_space<hbm>>
      %dma_wait3A_524 = tpu.memref_slice %arg20[%dma_wait3A_515] : memref<4x!tpu.dma_semaphore, #tpu.memory_space<semaphore_mem>> -> memref<1x!tpu.dma_semaphore, #tpu.memory_space<semaphore_mem>>
      %dma_wait3A_525 = tpu.memref_squeeze %dma_wait3A_524 : memref<1x!tpu.dma_semaphore, #tpu.memory_space<semaphore_mem>> -> memref<!tpu.dma_semaphore, #tpu.memory_space<semaphore_mem>>
      tpu.wait_indirect_dma semaphore(%dma_wait3A_525 : memref<!tpu.dma_semaphore, #tpu.memory_space<semaphore_mem>>) src(%dma_wait3A_523 : memref<10000x128xf32, #tpu.memory_space<hbm>>) dst(%dma_wait3A_518 : memref<40x128xf32, #tpu.memory_space<vmem>>)
      %dma_start3A_526 = arith.constant 1 : i32
      %dma_start3A_527 = arith.constant 0 : i32
      %dma_start3A_528 = arith.constant 0 : i32
      %dma_start3A_529 = tpu.memref_slice %arg18[%dma_start3A_527, %dma_start3A_528] : memref<10240x128xf32, #tpu.memory_space<vmem_shared>> -> memref<10240x128xf32, #tpu.memory_space<vmem_shared>>
      %dma_start3A_530 = tpu.memref_slice %arg21[%dma_start3A_526] : memref<4x!tpu.dma_semaphore, #tpu.memory_space<semaphore_mem>> -> memref<1x!tpu.dma_semaphore, #tpu.memory_space<semaphore_mem>>
      %dma_start3A_531 = tpu.memref_squeeze %dma_start3A_530 : memref<1x!tpu.dma_semaphore, #tpu.memory_space<semaphore_mem>> -> memref<!tpu.dma_semaphore, #tpu.memory_space<semaphore_mem>>
      tpu.enqueue_indirect_dma source(%arg15 : memref<80x128xf32, #tpu.memory_space<vmem>>) target(%dma_start3A_529 : memref<10240x128xf32, #tpu.memory_space<vmem_shared>>) offsets(%arg11 : memref<80xi32, #tpu.memory_space<vmem>>) semaphore(%dma_start3A_531 : memref<!tpu.dma_semaphore, #tpu.memory_space<semaphore_mem>>) {add = true}
      %dma_wait3A_532 = arith.constant 0 : i32
      %dma_wait3A_533 = arith.constant 0 : i32
      %dma_wait3A_534 = arith.constant 0 : i32
      %dma_wait3A_535 = tpu.memref_slice %arg18[%dma_wait3A_533, %dma_wait3A_534] : memref<10240x128xf32, #tpu.memory_space<vmem_shared>> -> memref<10240x128xf32, #tpu.memory_space<vmem_shared>>
      %dma_wait3A_536 = tpu.memref_slice %arg21[%dma_wait3A_532] : memref<4x!tpu.dma_semaphore, #tpu.memory_space<semaphore_mem>> -> memref<1x!tpu.dma_semaphore, #tpu.memory_space<semaphore_mem>>
      %dma_wait3A_537 = tpu.memref_squeeze %dma_wait3A_536 : memref<1x!tpu.dma_semaphore, #tpu.memory_space<semaphore_mem>> -> memref<!tpu.dma_semaphore, #tpu.memory_space<semaphore_mem>>
      tpu.wait_indirect_dma semaphore(%dma_wait3A_537 : memref<!tpu.dma_semaphore, #tpu.memory_space<semaphore_mem>>) src(%arg14 : memref<80x128xf32, #tpu.memory_space<vmem>>) dst(%dma_wait3A_535 : memref<10240x128xf32, #tpu.memory_space<vmem_shared>>)
      %mul3A_538 = arith.constant 4 : i32
      %mul3A_539 = arith.muli %scan3A_347, %mul3A_538 : i32
      %add3A_540 = arith.constant 2 : i32
      %add3A_541 = arith.addi %mul3A_539, %add3A_540 : i32
      %add3A_542 = arith.constant 1 : i32
      %add3A_543 = arith.addi %add3A_541, %add3A_542 : i32
      %mul3A_544 = arith.constant 80 : i32
      %mul3A_545 = arith.muli %add3A_543, %mul3A_544 : i32
      %add3A_546 = arith.addi %mul3A_2, %mul3A_545 : i32
      %dma_wait3A_547 = arith.constant 3 : i32
      %dma_wait3A_548 = tpu.memref_slice %arg3[%add3A_546] : memref<320000xi32, #tpu.memory_space<hbm>> -> memref<80xi32, #tpu.memory_space<hbm>>
      %dma_wait3A_549 = tpu.memref_slice %arg19[%dma_wait3A_547] : memref<4x!tpu.dma_semaphore, #tpu.memory_space<semaphore_mem>> -> memref<1x!tpu.dma_semaphore, #tpu.memory_space<semaphore_mem>>
      %dma_wait3A_550 = tpu.memref_squeeze %dma_wait3A_549 : memref<1x!tpu.dma_semaphore, #tpu.memory_space<semaphore_mem>> -> memref<!tpu.dma_semaphore, #tpu.memory_space<semaphore_mem>>
      %dma_wait3A_551 = tpu.memref_slice %arg3[%add3A_546] : memref<320000xi32, #tpu.memory_space<hbm>> -> memref<80xi32, #tpu.memory_space<hbm>>
      tpu.wait_dma2 semaphore(%dma_wait3A_550 : memref<!tpu.dma_semaphore, #tpu.memory_space<semaphore_mem>>) src(%dma_wait3A_551 : memref<80xi32, #tpu.memory_space<hbm>>) dst(%arg9 : memref<80xi32, #tpu.memory_space<vmem>>)
      %dma_wait3A_552 = arith.constant 3 : i32
      %dma_wait3A_553 = tpu.memref_slice %arg4[%add3A_546] : memref<320000xi32, #tpu.memory_space<hbm>> -> memref<80xi32, #tpu.memory_space<hbm>>
      %dma_wait3A_554 = tpu.memref_slice %arg19[%dma_wait3A_552] : memref<4x!tpu.dma_semaphore, #tpu.memory_space<semaphore_mem>> -> memref<1x!tpu.dma_semaphore, #tpu.memory_space<semaphore_mem>>
      %dma_wait3A_555 = tpu.memref_squeeze %dma_wait3A_554 : memref<1x!tpu.dma_semaphore, #tpu.memory_space<semaphore_mem>> -> memref<!tpu.dma_semaphore, #tpu.memory_space<semaphore_mem>>
      %dma_wait3A_556 = tpu.memref_slice %arg4[%add3A_546] : memref<320000xi32, #tpu.memory_space<hbm>> -> memref<80xi32, #tpu.memory_space<hbm>>
      tpu.wait_dma2 semaphore(%dma_wait3A_555 : memref<!tpu.dma_semaphore, #tpu.memory_space<semaphore_mem>>) src(%dma_wait3A_556 : memref<80xi32, #tpu.memory_space<hbm>>) dst(%arg13 : memref<80xi32, #tpu.memory_space<vmem>>)
      %dma_start3A_557 = arith.constant 3 : i32
      %dma_start3A_558 = arith.constant 0 : i32
      %dma_start3A_559 = arith.constant 0 : i32
      %dma_start3A_560 = tpu.memref_slice %arg17[%dma_start3A_558, %dma_start3A_559] : memref<80x128xf32, #tpu.memory_space<vmem>> -> memref<40x128xf32, #tpu.memory_space<vmem>>
      %dma_start3A_561 = arith.constant 0 : i32
      %dma_start3A_562 = tpu.memref_slice %arg9[%dma_start3A_561] : memref<80xi32, #tpu.memory_space<vmem>> -> memref<40xi32, #tpu.memory_space<vmem>>
      %dma_start3A_563 = arith.constant 0 : i32
      %dma_start3A_564 = arith.constant 0 : i32
      %dma_start3A_565 = tpu.memref_slice %arg2[%dma_start3A_563, %dma_start3A_564] : memref<10000x128xf32, #tpu.memory_space<hbm>> -> memref<10000x128xf32, #tpu.memory_space<hbm>>
      %dma_start3A_566 = tpu.memref_slice %arg20[%dma_start3A_557] : memref<4x!tpu.dma_semaphore, #tpu.memory_space<semaphore_mem>> -> memref<1x!tpu.dma_semaphore, #tpu.memory_space<semaphore_mem>>
      %dma_start3A_567 = tpu.memref_squeeze %dma_start3A_566 : memref<1x!tpu.dma_semaphore, #tpu.memory_space<semaphore_mem>> -> memref<!tpu.dma_semaphore, #tpu.memory_space<semaphore_mem>>
      tpu.enqueue_indirect_dma source(%dma_start3A_565 : memref<10000x128xf32, #tpu.memory_space<hbm>>) target(%dma_start3A_560 : memref<40x128xf32, #tpu.memory_space<vmem>>) offsets(%dma_start3A_562 : memref<40xi32, #tpu.memory_space<vmem>>) semaphore(%dma_start3A_567 : memref<!tpu.dma_semaphore, #tpu.memory_space<semaphore_mem>>)
      %dma_start3A_568 = arith.constant 3 : i32
      %dma_start3A_569 = arith.constant 40 : i32
      %dma_start3A_570 = arith.constant 0 : i32
      %dma_start3A_571 = tpu.memref_slice %arg17[%dma_start3A_569, %dma_start3A_570] : memref<80x128xf32, #tpu.memory_space<vmem>> -> memref<40x128xf32, #tpu.memory_space<vmem>>
      %dma_start3A_572 = arith.constant 40 : i32
      %dma_start3A_573 = tpu.memref_slice %arg9[%dma_start3A_572] : memref<80xi32, #tpu.memory_space<vmem>> -> memref<40xi32, #tpu.memory_space<vmem>>
      %dma_start3A_574 = arith.constant 0 : i32
      %dma_start3A_575 = arith.constant 0 : i32
      %dma_start3A_576 = tpu.memref_slice %arg2[%dma_start3A_574, %dma_start3A_575] : memref<10000x128xf32, #tpu.memory_space<hbm>> -> memref<10000x128xf32, #tpu.memory_space<hbm>>
      %dma_start3A_577 = tpu.memref_slice %arg20[%dma_start3A_568] : memref<4x!tpu.dma_semaphore, #tpu.memory_space<semaphore_mem>> -> memref<1x!tpu.dma_semaphore, #tpu.memory_space<semaphore_mem>>
      %dma_start3A_578 = tpu.memref_squeeze %dma_start3A_577 : memref<1x!tpu.dma_semaphore, #tpu.memory_space<semaphore_mem>> -> memref<!tpu.dma_semaphore, #tpu.memory_space<semaphore_mem>>
      tpu.enqueue_indirect_dma source(%dma_start3A_576 : memref<10000x128xf32, #tpu.memory_space<hbm>>) target(%dma_start3A_571 : memref<40x128xf32, #tpu.memory_space<vmem>>) offsets(%dma_start3A_573 : memref<40xi32, #tpu.memory_space<vmem>>) semaphore(%dma_start3A_578 : memref<!tpu.dma_semaphore, #tpu.memory_space<semaphore_mem>>)
      %lt3A = arith.constant 30 : i32
      %lt3A_579 = arith.cmpi slt, %scan3A_347, %lt3A : i32
      %convert_element_type3A_580 = arith.extui %lt3A_579 : i1 to i32
      %cond3A_581 = arith.constant 0 : i32
      %cond3A_582 = arith.cmpi ne, %convert_element_type3A_580, %cond3A_581 : i32
      scf.if %cond3A_582 {
        %mul3A_656 = arith.constant 4 : i32
        %mul3A_657 = arith.muli %scan3A_347, %mul3A_656 : i32
        %add3A_658 = arith.constant 2 : i32
        %add3A_659 = arith.addi %mul3A_657, %add3A_658 : i32
        %add3A_660 = arith.constant 2 : i32
        %add3A_661 = arith.addi %add3A_659, %add3A_660 : i32
        %mul3A_662 = arith.constant 80 : i32
        %mul3A_663 = arith.muli %add3A_661, %mul3A_662 : i32
        %add3A_664 = arith.addi %mul3A_2, %mul3A_663 : i32
        %dma_start3A_665 = arith.constant 0 : i32
        %dma_start3A_666 = tpu.memref_slice %arg3[%add3A_664] : memref<320000xi32, #tpu.memory_space<hbm>> -> memref<80xi32, #tpu.memory_space<hbm>>
        %dma_start3A_667 = tpu.memref_slice %arg19[%dma_start3A_665] : memref<4x!tpu.dma_semaphore, #tpu.memory_space<semaphore_mem>> -> memref<1x!tpu.dma_semaphore, #tpu.memory_space<semaphore_mem>>
        %dma_start3A_668 = tpu.memref_squeeze %dma_start3A_667 : memref<1x!tpu.dma_semaphore, #tpu.memory_space<semaphore_mem>> -> memref<!tpu.dma_semaphore, #tpu.memory_space<semaphore_mem>>
        %dma_start3A_669 = tpu.memref_slice %arg3[%add3A_664] : memref<320000xi32, #tpu.memory_space<hbm>> -> memref<80xi32, #tpu.memory_space<hbm>>
        tpu.enqueue_dma source(%dma_start3A_669 : memref<80xi32, #tpu.memory_space<hbm>>) target(%arg6 : memref<80xi32, #tpu.memory_space<vmem>>) target_semaphore(%dma_start3A_668 : memref<!tpu.dma_semaphore, #tpu.memory_space<semaphore_mem>>)
        %dma_start3A_670 = arith.constant 0 : i32
        %dma_start3A_671 = tpu.memref_slice %arg4[%add3A_664] : memref<320000xi32, #tpu.memory_space<hbm>> -> memref<80xi32, #tpu.memory_space<hbm>>
        %dma_start3A_672 = tpu.memref_slice %arg19[%dma_start3A_670] : memref<4x!tpu.dma_semaphore, #tpu.memory_space<semaphore_mem>> -> memref<1x!tpu.dma_semaphore, #tpu.memory_space<semaphore_mem>>
        %dma_start3A_673 = tpu.memref_squeeze %dma_start3A_672 : memref<1x!tpu.dma_semaphore, #tpu.memory_space<semaphore_mem>> -> memref<!tpu.dma_semaphore, #tpu.memory_space<semaphore_mem>>
        %dma_start3A_674 = tpu.memref_slice %arg4[%add3A_664] : memref<320000xi32, #tpu.memory_space<hbm>> -> memref<80xi32, #tpu.memory_space<hbm>>
        tpu.enqueue_dma source(%dma_start3A_674 : memref<80xi32, #tpu.memory_space<hbm>>) target(%arg10 : memref<80xi32, #tpu.memory_space<vmem>>) target_semaphore(%dma_start3A_673 : memref<!tpu.dma_semaphore, #tpu.memory_space<semaphore_mem>>)
      } else {
      }
      %dma_wait3A_583 = arith.constant 2 : i32
      %dma_wait3A_584 = arith.constant 0 : i32
      %dma_wait3A_585 = arith.constant 0 : i32
      %dma_wait3A_586 = tpu.memref_slice %arg16[%dma_wait3A_584, %dma_wait3A_585] : memref<80x128xf32, #tpu.memory_space<vmem>> -> memref<40x128xf32, #tpu.memory_space<vmem>>
      %dma_wait3A_587 = arith.constant 0 : i32
      %dma_wait3A_588 = tpu.memref_slice %arg8[%dma_wait3A_587] : memref<80xi32, #tpu.memory_space<vmem>> -> memref<40xi32, #tpu.memory_space<vmem>>
      %dma_wait3A_589 = arith.constant 0 : i32
      %dma_wait3A_590 = arith.constant 0 : i32
      %dma_wait3A_591 = tpu.memref_slice %arg2[%dma_wait3A_589, %dma_wait3A_590] : memref<10000x128xf32, #tpu.memory_space<hbm>> -> memref<10000x128xf32, #tpu.memory_space<hbm>>
      %dma_wait3A_592 = tpu.memref_slice %arg20[%dma_wait3A_583] : memref<4x!tpu.dma_semaphore, #tpu.memory_space<semaphore_mem>> -> memref<1x!tpu.dma_semaphore, #tpu.memory_space<semaphore_mem>>
      %dma_wait3A_593 = tpu.memref_squeeze %dma_wait3A_592 : memref<1x!tpu.dma_semaphore, #tpu.memory_space<semaphore_mem>> -> memref<!tpu.dma_semaphore, #tpu.memory_space<semaphore_mem>>
      tpu.wait_indirect_dma semaphore(%dma_wait3A_593 : memref<!tpu.dma_semaphore, #tpu.memory_space<semaphore_mem>>) src(%dma_wait3A_591 : memref<10000x128xf32, #tpu.memory_space<hbm>>) dst(%dma_wait3A_586 : memref<40x128xf32, #tpu.memory_space<vmem>>)
      %dma_wait3A_594 = arith.constant 2 : i32
      %dma_wait3A_595 = arith.constant 40 : i32
      %dma_wait3A_596 = arith.constant 0 : i32
      %dma_wait3A_597 = tpu.memref_slice %arg16[%dma_wait3A_595, %dma_wait3A_596] : memref<80x128xf32, #tpu.memory_space<vmem>> -> memref<40x128xf32, #tpu.memory_space<vmem>>
      %dma_wait3A_598 = arith.constant 40 : i32
      %dma_wait3A_599 = tpu.memref_slice %arg8[%dma_wait3A_598] : memref<80xi32, #tpu.memory_space<vmem>> -> memref<40xi32, #tpu.memory_space<vmem>>
      %dma_wait3A_600 = arith.constant 0 : i32
      %dma_wait3A_601 = arith.constant 0 : i32
      %dma_wait3A_602 = tpu.memref_slice %arg2[%dma_wait3A_600, %dma_wait3A_601] : memref<10000x128xf32, #tpu.memory_space<hbm>> -> memref<10000x128xf32, #tpu.memory_space<hbm>>
      %dma_wait3A_603 = tpu.memref_slice %arg20[%dma_wait3A_594] : memref<4x!tpu.dma_semaphore, #tpu.memory_space<semaphore_mem>> -> memref<1x!tpu.dma_semaphore, #tpu.memory_space<semaphore_mem>>
      %dma_wait3A_604 = tpu.memref_squeeze %dma_wait3A_603 : memref<1x!tpu.dma_semaphore, #tpu.memory_space<semaphore_mem>> -> memref<!tpu.dma_semaphore, #tpu.memory_space<semaphore_mem>>
      tpu.wait_indirect_dma semaphore(%dma_wait3A_604 : memref<!tpu.dma_semaphore, #tpu.memory_space<semaphore_mem>>) src(%dma_wait3A_602 : memref<10000x128xf32, #tpu.memory_space<hbm>>) dst(%dma_wait3A_597 : memref<40x128xf32, #tpu.memory_space<vmem>>)
      %dma_start3A_605 = arith.constant 2 : i32
      %dma_start3A_606 = arith.constant 0 : i32
      %dma_start3A_607 = arith.constant 0 : i32
      %dma_start3A_608 = tpu.memref_slice %arg18[%dma_start3A_606, %dma_start3A_607] : memref<10240x128xf32, #tpu.memory_space<vmem_shared>> -> memref<10240x128xf32, #tpu.memory_space<vmem_shared>>
      %dma_start3A_609 = tpu.memref_slice %arg21[%dma_start3A_605] : memref<4x!tpu.dma_semaphore, #tpu.memory_space<semaphore_mem>> -> memref<1x!tpu.dma_semaphore, #tpu.memory_space<semaphore_mem>>
      %dma_start3A_610 = tpu.memref_squeeze %dma_start3A_609 : memref<1x!tpu.dma_semaphore, #tpu.memory_space<semaphore_mem>> -> memref<!tpu.dma_semaphore, #tpu.memory_space<semaphore_mem>>
      tpu.enqueue_indirect_dma source(%arg16 : memref<80x128xf32, #tpu.memory_space<vmem>>) target(%dma_start3A_608 : memref<10240x128xf32, #tpu.memory_space<vmem_shared>>) offsets(%arg12 : memref<80xi32, #tpu.memory_space<vmem>>) semaphore(%dma_start3A_610 : memref<!tpu.dma_semaphore, #tpu.memory_space<semaphore_mem>>) {add = true}
      %dma_wait3A_611 = arith.constant 1 : i32
      %dma_wait3A_612 = arith.constant 0 : i32
      %dma_wait3A_613 = arith.constant 0 : i32
      %dma_wait3A_614 = tpu.memref_slice %arg18[%dma_wait3A_612, %dma_wait3A_613] : memref<10240x128xf32, #tpu.memory_space<vmem_shared>> -> memref<10240x128xf32, #tpu.memory_space<vmem_shared>>
      %dma_wait3A_615 = tpu.memref_slice %arg21[%dma_wait3A_611] : memref<4x!tpu.dma_semaphore, #tpu.memory_space<semaphore_mem>> -> memref<1x!tpu.dma_semaphore, #tpu.memory_space<semaphore_mem>>
      %dma_wait3A_616 = tpu.memref_squeeze %dma_wait3A_615 : memref<1x!tpu.dma_semaphore, #tpu.memory_space<semaphore_mem>> -> memref<!tpu.dma_semaphore, #tpu.memory_space<semaphore_mem>>
      tpu.wait_indirect_dma semaphore(%dma_wait3A_616 : memref<!tpu.dma_semaphore, #tpu.memory_space<semaphore_mem>>) src(%arg15 : memref<80x128xf32, #tpu.memory_space<vmem>>) dst(%dma_wait3A_614 : memref<10240x128xf32, #tpu.memory_space<vmem_shared>>)
      %lt3A_617 = arith.constant 30 : i32
      %lt3A_618 = arith.cmpi slt, %scan3A_347, %lt3A_617 : i32
      %convert_element_type3A_619 = arith.extui %lt3A_618 : i1 to i32
      %cond3A_620 = arith.constant 0 : i32
      %cond3A_621 = arith.cmpi ne, %convert_element_type3A_619, %cond3A_620 : i32
      scf.if %cond3A_621 {
        %mul3A_656 = arith.constant 4 : i32
        %mul3A_657 = arith.muli %scan3A_347, %mul3A_656 : i32
        %add3A_658 = arith.constant 3 : i32
        %add3A_659 = arith.addi %mul3A_657, %add3A_658 : i32
        %add3A_660 = arith.constant 1 : i32
        %add3A_661 = arith.addi %add3A_659, %add3A_660 : i32
        %mul3A_662 = arith.constant 80 : i32
        %mul3A_663 = arith.muli %add3A_661, %mul3A_662 : i32
        %add3A_664 = arith.addi %mul3A_2, %mul3A_663 : i32
        %dma_wait3A_665 = arith.constant 0 : i32
        %dma_wait3A_666 = tpu.memref_slice %arg3[%add3A_664] : memref<320000xi32, #tpu.memory_space<hbm>> -> memref<80xi32, #tpu.memory_space<hbm>>
        %dma_wait3A_667 = tpu.memref_slice %arg19[%dma_wait3A_665] : memref<4x!tpu.dma_semaphore, #tpu.memory_space<semaphore_mem>> -> memref<1x!tpu.dma_semaphore, #tpu.memory_space<semaphore_mem>>
        %dma_wait3A_668 = tpu.memref_squeeze %dma_wait3A_667 : memref<1x!tpu.dma_semaphore, #tpu.memory_space<semaphore_mem>> -> memref<!tpu.dma_semaphore, #tpu.memory_space<semaphore_mem>>
        %dma_wait3A_669 = tpu.memref_slice %arg3[%add3A_664] : memref<320000xi32, #tpu.memory_space<hbm>> -> memref<80xi32, #tpu.memory_space<hbm>>
        tpu.wait_dma2 semaphore(%dma_wait3A_668 : memref<!tpu.dma_semaphore, #tpu.memory_space<semaphore_mem>>) src(%dma_wait3A_669 : memref<80xi32, #tpu.memory_space<hbm>>) dst(%arg6 : memref<80xi32, #tpu.memory_space<vmem>>)
        %dma_wait3A_670 = arith.constant 0 : i32
        %dma_wait3A_671 = tpu.memref_slice %arg4[%add3A_664] : memref<320000xi32, #tpu.memory_space<hbm>> -> memref<80xi32, #tpu.memory_space<hbm>>
        %dma_wait3A_672 = tpu.memref_slice %arg19[%dma_wait3A_670] : memref<4x!tpu.dma_semaphore, #tpu.memory_space<semaphore_mem>> -> memref<1x!tpu.dma_semaphore, #tpu.memory_space<semaphore_mem>>
        %dma_wait3A_673 = tpu.memref_squeeze %dma_wait3A_672 : memref<1x!tpu.dma_semaphore, #tpu.memory_space<semaphore_mem>> -> memref<!tpu.dma_semaphore, #tpu.memory_space<semaphore_mem>>
        %dma_wait3A_674 = tpu.memref_slice %arg4[%add3A_664] : memref<320000xi32, #tpu.memory_space<hbm>> -> memref<80xi32, #tpu.memory_space<hbm>>
        tpu.wait_dma2 semaphore(%dma_wait3A_673 : memref<!tpu.dma_semaphore, #tpu.memory_space<semaphore_mem>>) src(%dma_wait3A_674 : memref<80xi32, #tpu.memory_space<hbm>>) dst(%arg10 : memref<80xi32, #tpu.memory_space<vmem>>)
        %dma_start3A_675 = arith.constant 0 : i32
        %dma_start3A_676 = arith.constant 0 : i32
        %dma_start3A_677 = arith.constant 0 : i32
        %dma_start3A_678 = tpu.memref_slice %arg14[%dma_start3A_676, %dma_start3A_677] : memref<80x128xf32, #tpu.memory_space<vmem>> -> memref<40x128xf32, #tpu.memory_space<vmem>>
        %dma_start3A_679 = arith.constant 0 : i32
        %dma_start3A_680 = tpu.memref_slice %arg6[%dma_start3A_679] : memref<80xi32, #tpu.memory_space<vmem>> -> memref<40xi32, #tpu.memory_space<vmem>>
        %dma_start3A_681 = arith.constant 0 : i32
        %dma_start3A_682 = arith.constant 0 : i32
        %dma_start3A_683 = tpu.memref_slice %arg2[%dma_start3A_681, %dma_start3A_682] : memref<10000x128xf32, #tpu.memory_space<hbm>> -> memref<10000x128xf32, #tpu.memory_space<hbm>>
        %dma_start3A_684 = tpu.memref_slice %arg20[%dma_start3A_675] : memref<4x!tpu.dma_semaphore, #tpu.memory_space<semaphore_mem>> -> memref<1x!tpu.dma_semaphore, #tpu.memory_space<semaphore_mem>>
        %dma_start3A_685 = tpu.memref_squeeze %dma_start3A_684 : memref<1x!tpu.dma_semaphore, #tpu.memory_space<semaphore_mem>> -> memref<!tpu.dma_semaphore, #tpu.memory_space<semaphore_mem>>
        tpu.enqueue_indirect_dma source(%dma_start3A_683 : memref<10000x128xf32, #tpu.memory_space<hbm>>) target(%dma_start3A_678 : memref<40x128xf32, #tpu.memory_space<vmem>>) offsets(%dma_start3A_680 : memref<40xi32, #tpu.memory_space<vmem>>) semaphore(%dma_start3A_685 : memref<!tpu.dma_semaphore, #tpu.memory_space<semaphore_mem>>)
        %dma_start3A_686 = arith.constant 0 : i32
        %dma_start3A_687 = arith.constant 40 : i32
        %dma_start3A_688 = arith.constant 0 : i32
        %dma_start3A_689 = tpu.memref_slice %arg14[%dma_start3A_687, %dma_start3A_688] : memref<80x128xf32, #tpu.memory_space<vmem>> -> memref<40x128xf32, #tpu.memory_space<vmem>>
        %dma_start3A_690 = arith.constant 40 : i32
        %dma_start3A_691 = tpu.memref_slice %arg6[%dma_start3A_690] : memref<80xi32, #tpu.memory_space<vmem>> -> memref<40xi32, #tpu.memory_space<vmem>>
        %dma_start3A_692 = arith.constant 0 : i32
        %dma_start3A_693 = arith.constant 0 : i32
        %dma_start3A_694 = tpu.memref_slice %arg2[%dma_start3A_692, %dma_start3A_693] : memref<10000x128xf32, #tpu.memory_space<hbm>> -> memref<10000x128xf32, #tpu.memory_space<hbm>>
        %dma_start3A_695 = tpu.memref_slice %arg20[%dma_start3A_686] : memref<4x!tpu.dma_semaphore, #tpu.memory_space<semaphore_mem>> -> memref<1x!tpu.dma_semaphore, #tpu.memory_space<semaphore_mem>>
        %dma_start3A_696 = tpu.memref_squeeze %dma_start3A_695 : memref<1x!tpu.dma_semaphore, #tpu.memory_space<semaphore_mem>> -> memref<!tpu.dma_semaphore, #tpu.memory_space<semaphore_mem>>
        tpu.enqueue_indirect_dma source(%dma_start3A_694 : memref<10000x128xf32, #tpu.memory_space<hbm>>) target(%dma_start3A_689 : memref<40x128xf32, #tpu.memory_space<vmem>>) offsets(%dma_start3A_691 : memref<40xi32, #tpu.memory_space<vmem>>) semaphore(%dma_start3A_696 : memref<!tpu.dma_semaphore, #tpu.memory_space<semaphore_mem>>)
      } else {
      }
      %lt3A_622 = arith.constant 30 : i32
      %lt3A_623 = arith.cmpi slt, %scan3A_347, %lt3A_622 : i32
      %convert_element_type3A_624 = arith.extui %lt3A_623 : i1 to i32
      %cond3A_625 = arith.constant 0 : i32
      %cond3A_626 = arith.cmpi ne, %convert_element_type3A_624, %cond3A_625 : i32
      scf.if %cond3A_626 {
        %mul3A_656 = arith.constant 4 : i32
        %mul3A_657 = arith.muli %scan3A_347, %mul3A_656 : i32
        %add3A_658 = arith.constant 3 : i32
        %add3A_659 = arith.addi %mul3A_657, %add3A_658 : i32
        %add3A_660 = arith.constant 2 : i32
        %add3A_661 = arith.addi %add3A_659, %add3A_660 : i32
        %mul3A_662 = arith.constant 80 : i32
        %mul3A_663 = arith.muli %add3A_661, %mul3A_662 : i32
        %add3A_664 = arith.addi %mul3A_2, %mul3A_663 : i32
        %dma_start3A_665 = arith.constant 1 : i32
        %dma_start3A_666 = tpu.memref_slice %arg3[%add3A_664] : memref<320000xi32, #tpu.memory_space<hbm>> -> memref<80xi32, #tpu.memory_space<hbm>>
        %dma_start3A_667 = tpu.memref_slice %arg19[%dma_start3A_665] : memref<4x!tpu.dma_semaphore, #tpu.memory_space<semaphore_mem>> -> memref<1x!tpu.dma_semaphore, #tpu.memory_space<semaphore_mem>>
        %dma_start3A_668 = tpu.memref_squeeze %dma_start3A_667 : memref<1x!tpu.dma_semaphore, #tpu.memory_space<semaphore_mem>> -> memref<!tpu.dma_semaphore, #tpu.memory_space<semaphore_mem>>
        %dma_start3A_669 = tpu.memref_slice %arg3[%add3A_664] : memref<320000xi32, #tpu.memory_space<hbm>> -> memref<80xi32, #tpu.memory_space<hbm>>
        tpu.enqueue_dma source(%dma_start3A_669 : memref<80xi32, #tpu.memory_space<hbm>>) target(%arg7 : memref<80xi32, #tpu.memory_space<vmem>>) target_semaphore(%dma_start3A_668 : memref<!tpu.dma_semaphore, #tpu.memory_space<semaphore_mem>>)
        %dma_start3A_670 = arith.constant 1 : i32
        %dma_start3A_671 = tpu.memref_slice %arg4[%add3A_664] : memref<320000xi32, #tpu.memory_space<hbm>> -> memref<80xi32, #tpu.memory_space<hbm>>
        %dma_start3A_672 = tpu.memref_slice %arg19[%dma_start3A_670] : memref<4x!tpu.dma_semaphore, #tpu.memory_space<semaphore_mem>> -> memref<1x!tpu.dma_semaphore, #tpu.memory_space<semaphore_mem>>
        %dma_start3A_673 = tpu.memref_squeeze %dma_start3A_672 : memref<1x!tpu.dma_semaphore, #tpu.memory_space<semaphore_mem>> -> memref<!tpu.dma_semaphore, #tpu.memory_space<semaphore_mem>>
        %dma_start3A_674 = tpu.memref_slice %arg4[%add3A_664] : memref<320000xi32, #tpu.memory_space<hbm>> -> memref<80xi32, #tpu.memory_space<hbm>>
        tpu.enqueue_dma source(%dma_start3A_674 : memref<80xi32, #tpu.memory_space<hbm>>) target(%arg11 : memref<80xi32, #tpu.memory_space<vmem>>) target_semaphore(%dma_start3A_673 : memref<!tpu.dma_semaphore, #tpu.memory_space<semaphore_mem>>)
      } else {
      }
      %dma_wait3A_627 = arith.constant 3 : i32
      %dma_wait3A_628 = arith.constant 0 : i32
      %dma_wait3A_629 = arith.constant 0 : i32
      %dma_wait3A_630 = tpu.memref_slice %arg17[%dma_wait3A_628, %dma_wait3A_629] : memref<80x128xf32, #tpu.memory_space<vmem>> -> memref<40x128xf32, #tpu.memory_space<vmem>>
      %dma_wait3A_631 = arith.constant 0 : i32
      %dma_wait3A_632 = tpu.memref_slice %arg9[%dma_wait3A_631] : memref<80xi32, #tpu.memory_space<vmem>> -> memref<40xi32, #tpu.memory_space<vmem>>
      %dma_wait3A_633 = arith.constant 0 : i32
      %dma_wait3A_634 = arith.constant 0 : i32
      %dma_wait3A_635 = tpu.memref_slice %arg2[%dma_wait3A_633, %dma_wait3A_634] : memref<10000x128xf32, #tpu.memory_space<hbm>> -> memref<10000x128xf32, #tpu.memory_space<hbm>>
      %dma_wait3A_636 = tpu.memref_slice %arg20[%dma_wait3A_627] : memref<4x!tpu.dma_semaphore, #tpu.memory_space<semaphore_mem>> -> memref<1x!tpu.dma_semaphore, #tpu.memory_space<semaphore_mem>>
      %dma_wait3A_637 = tpu.memref_squeeze %dma_wait3A_636 : memref<1x!tpu.dma_semaphore, #tpu.memory_space<semaphore_mem>> -> memref<!tpu.dma_semaphore, #tpu.memory_space<semaphore_mem>>
      tpu.wait_indirect_dma semaphore(%dma_wait3A_637 : memref<!tpu.dma_semaphore, #tpu.memory_space<semaphore_mem>>) src(%dma_wait3A_635 : memref<10000x128xf32, #tpu.memory_space<hbm>>) dst(%dma_wait3A_630 : memref<40x128xf32, #tpu.memory_space<vmem>>)
      %dma_wait3A_638 = arith.constant 3 : i32
      %dma_wait3A_639 = arith.constant 40 : i32
      %dma_wait3A_640 = arith.constant 0 : i32
      %dma_wait3A_641 = tpu.memref_slice %arg17[%dma_wait3A_639, %dma_wait3A_640] : memref<80x128xf32, #tpu.memory_space<vmem>> -> memref<40x128xf32, #tpu.memory_space<vmem>>
      %dma_wait3A_642 = arith.constant 40 : i32
      %dma_wait3A_643 = tpu.memref_slice %arg9[%dma_wait3A_642] : memref<80xi32, #tpu.memory_space<vmem>> -> memref<40xi32, #tpu.memory_space<vmem>>
      %dma_wait3A_644 = arith.constant 0 : i32
      %dma_wait3A_645 = arith.constant 0 : i32
      %dma_wait3A_646 = tpu.memref_slice %arg2[%dma_wait3A_644, %dma_wait3A_645] : memref<10000x128xf32, #tpu.memory_space<hbm>> -> memref<10000x128xf32, #tpu.memory_space<hbm>>
      %dma_wait3A_647 = tpu.memref_slice %arg20[%dma_wait3A_638] : memref<4x!tpu.dma_semaphore, #tpu.memory_space<semaphore_mem>> -> memref<1x!tpu.dma_semaphore, #tpu.memory_space<semaphore_mem>>
      %dma_wait3A_648 = tpu.memref_squeeze %dma_wait3A_647 : memref<1x!tpu.dma_semaphore, #tpu.memory_space<semaphore_mem>> -> memref<!tpu.dma_semaphore, #tpu.memory_space<semaphore_mem>>
      tpu.wait_indirect_dma semaphore(%dma_wait3A_648 : memref<!tpu.dma_semaphore, #tpu.memory_space<semaphore_mem>>) src(%dma_wait3A_646 : memref<10000x128xf32, #tpu.memory_space<hbm>>) dst(%dma_wait3A_641 : memref<40x128xf32, #tpu.memory_space<vmem>>)
      %dma_start3A_649 = arith.constant 3 : i32
      %dma_start3A_650 = arith.constant 0 : i32
      %dma_start3A_651 = arith.constant 0 : i32
      %dma_start3A_652 = tpu.memref_slice %arg18[%dma_start3A_650, %dma_start3A_651] : memref<10240x128xf32, #tpu.memory_space<vmem_shared>> -> memref<10240x128xf32, #tpu.memory_space<vmem_shared>>
      %dma_start3A_653 = tpu.memref_slice %arg21[%dma_start3A_649] : memref<4x!tpu.dma_semaphore, #tpu.memory_space<semaphore_mem>> -> memref<1x!tpu.dma_semaphore, #tpu.memory_space<semaphore_mem>>
      %dma_start3A_654 = tpu.memref_squeeze %dma_start3A_653 : memref<1x!tpu.dma_semaphore, #tpu.memory_space<semaphore_mem>> -> memref<!tpu.dma_semaphore, #tpu.memory_space<semaphore_mem>>
      tpu.enqueue_indirect_dma source(%arg17 : memref<80x128xf32, #tpu.memory_space<vmem>>) target(%dma_start3A_652 : memref<10240x128xf32, #tpu.memory_space<vmem_shared>>) offsets(%arg13 : memref<80xi32, #tpu.memory_space<vmem>>) semaphore(%dma_start3A_654 : memref<!tpu.dma_semaphore, #tpu.memory_space<semaphore_mem>>) {add = true}
      %scan3A_655 = arith.constant 0 : i32
      scf.yield %scan3A_655 : i32
    }
    %scan3A_79 = arith.constant 31 : i32
    %dma_wait3A_80 = arith.constant 2 : i32
    %dma_wait3A_81 = arith.constant 0 : i32
    %dma_wait3A_82 = arith.constant 0 : i32
    %dma_wait3A_83 = tpu.memref_slice %arg18[%dma_wait3A_81, %dma_wait3A_82] : memref<10240x128xf32, #tpu.memory_space<vmem_shared>> -> memref<10240x128xf32, #tpu.memory_space<vmem_shared>>
    %dma_wait3A_84 = tpu.memref_slice %arg21[%dma_wait3A_80] : memref<4x!tpu.dma_semaphore, #tpu.memory_space<semaphore_mem>> -> memref<1x!tpu.dma_semaphore, #tpu.memory_space<semaphore_mem>>
    %dma_wait3A_85 = tpu.memref_squeeze %dma_wait3A_84 : memref<1x!tpu.dma_semaphore, #tpu.memory_space<semaphore_mem>> -> memref<!tpu.dma_semaphore, #tpu.memory_space<semaphore_mem>>
    tpu.wait_indirect_dma semaphore(%dma_wait3A_85 : memref<!tpu.dma_semaphore, #tpu.memory_space<semaphore_mem>>) src(%arg16 : memref<80x128xf32, #tpu.memory_space<vmem>>) dst(%dma_wait3A_83 : memref<10240x128xf32, #tpu.memory_space<vmem_shared>>)
    %dma_wait3A_86 = arith.constant 3 : i32
    %dma_wait3A_87 = arith.constant 0 : i32
    %dma_wait3A_88 = arith.constant 0 : i32
    %dma_wait3A_89 = tpu.memref_slice %arg18[%dma_wait3A_87, %dma_wait3A_88] : memref<10240x128xf32, #tpu.memory_space<vmem_shared>> -> memref<10240x128xf32, #tpu.memory_space<vmem_shared>>
    %dma_wait3A_90 = tpu.memref_slice %arg21[%dma_wait3A_86] : memref<4x!tpu.dma_semaphore, #tpu.memory_space<semaphore_mem>> -> memref<1x!tpu.dma_semaphore, #tpu.memory_space<semaphore_mem>>
    %dma_wait3A_91 = tpu.memref_squeeze %dma_wait3A_90 : memref<1x!tpu.dma_semaphore, #tpu.memory_space<semaphore_mem>> -> memref<!tpu.dma_semaphore, #tpu.memory_space<semaphore_mem>>
    tpu.wait_indirect_dma semaphore(%dma_wait3A_91 : memref<!tpu.dma_semaphore, #tpu.memory_space<semaphore_mem>>) src(%arg17 : memref<80x128xf32, #tpu.memory_space<vmem>>) dst(%dma_wait3A_89 : memref<10240x128xf32, #tpu.memory_space<vmem_shared>>)
    %add3A_92 = arith.constant 9920 : i32
    %add3A_93 = arith.addi %mul3A_2, %add3A_92 : i32
    "tpu.region"() ({
      %run_scoped3A = tpu.sem_alloc : memref<!tpu.dma_semaphore, #tpu.memory_space<semaphore_mem>>
      %dma_start3A_347 = tpu.memref_slice %arg3[%add3A_93] : memref<320000xi32, #tpu.memory_space<hbm>> -> memref<80xi32, #tpu.memory_space<hbm>>
      %dma_start3A_348 = tpu.memref_slice %arg3[%add3A_93] : memref<320000xi32, #tpu.memory_space<hbm>> -> memref<80xi32, #tpu.memory_space<hbm>>
      tpu.enqueue_dma source(%dma_start3A_348 : memref<80xi32, #tpu.memory_space<hbm>>) target(%arg6 : memref<80xi32, #tpu.memory_space<vmem>>) target_semaphore(%run_scoped3A : memref<!tpu.dma_semaphore, #tpu.memory_space<semaphore_mem>>)
      %dma_wait3A_349 = tpu.memref_slice %arg3[%add3A_93] : memref<320000xi32, #tpu.memory_space<hbm>> -> memref<80xi32, #tpu.memory_space<hbm>>
      %dma_wait3A_350 = tpu.memref_slice %arg3[%add3A_93] : memref<320000xi32, #tpu.memory_space<hbm>> -> memref<80xi32, #tpu.memory_space<hbm>>
      tpu.wait_dma2 semaphore(%run_scoped3A : memref<!tpu.dma_semaphore, #tpu.memory_space<semaphore_mem>>) src(%dma_wait3A_350 : memref<80xi32, #tpu.memory_space<hbm>>) dst(%arg6 : memref<80xi32, #tpu.memory_space<vmem>>)
      tpu.yield
    }) : () -> ()
    "tpu.region"() ({
      %run_scoped3A = tpu.sem_alloc : memref<!tpu.dma_semaphore, #tpu.memory_space<semaphore_mem>>
      %dma_start3A_347 = tpu.memref_slice %arg4[%add3A_93] : memref<320000xi32, #tpu.memory_space<hbm>> -> memref<80xi32, #tpu.memory_space<hbm>>
      %dma_start3A_348 = tpu.memref_slice %arg4[%add3A_93] : memref<320000xi32, #tpu.memory_space<hbm>> -> memref<80xi32, #tpu.memory_space<hbm>>
      tpu.enqueue_dma source(%dma_start3A_348 : memref<80xi32, #tpu.memory_space<hbm>>) target(%arg10 : memref<80xi32, #tpu.memory_space<vmem>>) target_semaphore(%run_scoped3A : memref<!tpu.dma_semaphore, #tpu.memory_space<semaphore_mem>>)
      %dma_wait3A_349 = tpu.memref_slice %arg4[%add3A_93] : memref<320000xi32, #tpu.memory_space<hbm>> -> memref<80xi32, #tpu.memory_space<hbm>>
      %dma_wait3A_350 = tpu.memref_slice %arg4[%add3A_93] : memref<320000xi32, #tpu.memory_space<hbm>> -> memref<80xi32, #tpu.memory_space<hbm>>
      tpu.wait_dma2 semaphore(%run_scoped3A : memref<!tpu.dma_semaphore, #tpu.memory_space<semaphore_mem>>) src(%dma_wait3A_350 : memref<80xi32, #tpu.memory_space<hbm>>) dst(%arg10 : memref<80xi32, #tpu.memory_space<vmem>>)
      tpu.yield
    }) : () -> ()
    %dma_start3A_94 = arith.constant 0 : i32
    %dma_start3A_95 = arith.constant 0 : i32
    %dma_start3A_96 = arith.constant 0 : i32
    %dma_start3A_97 = tpu.memref_slice %arg2[%dma_start3A_95, %dma_start3A_96] : memref<10000x128xf32, #tpu.memory_space<hbm>> -> memref<10000x128xf32, #tpu.memory_space<hbm>>
    %dma_start3A_98 = tpu.memref_slice %arg20[%dma_start3A_94] : memref<4x!tpu.dma_semaphore, #tpu.memory_space<semaphore_mem>> -> memref<1x!tpu.dma_semaphore, #tpu.memory_space<semaphore_mem>>
    %dma_start3A_99 = tpu.memref_squeeze %dma_start3A_98 : memref<1x!tpu.dma_semaphore, #tpu.memory_space<semaphore_mem>> -> memref<!tpu.dma_semaphore, #tpu.memory_space<semaphore_mem>>
    tpu.enqueue_indirect_dma source(%dma_start3A_97 : memref<10000x128xf32, #tpu.memory_space<hbm>>) target(%arg14 : memref<80x128xf32, #tpu.memory_space<vmem>>) offsets(%arg6 : memref<80xi32, #tpu.memory_space<vmem>>) semaphore(%dma_start3A_99 : memref<!tpu.dma_semaphore, #tpu.memory_space<semaphore_mem>>)
    %dma_wait3A_100 = arith.constant 0 : i32
    %dma_wait3A_101 = arith.constant 0 : i32
    %dma_wait3A_102 = arith.constant 0 : i32
    %dma_wait3A_103 = tpu.memref_slice %arg2[%dma_wait3A_101, %dma_wait3A_102] : memref<10000x128xf32, #tpu.memory_space<hbm>> -> memref<10000x128xf32, #tpu.memory_space<hbm>>
    %dma_wait3A_104 = tpu.memref_slice %arg20[%dma_wait3A_100] : memref<4x!tpu.dma_semaphore, #tpu.memory_space<semaphore_mem>> -> memref<1x!tpu.dma_semaphore, #tpu.memory_space<semaphore_mem>>
    %dma_wait3A_105 = tpu.memref_squeeze %dma_wait3A_104 : memref<1x!tpu.dma_semaphore, #tpu.memory_space<semaphore_mem>> -> memref<!tpu.dma_semaphore, #tpu.memory_space<semaphore_mem>>
    tpu.wait_indirect_dma semaphore(%dma_wait3A_105 : memref<!tpu.dma_semaphore, #tpu.memory_space<semaphore_mem>>) src(%dma_wait3A_103 : memref<10000x128xf32, #tpu.memory_space<hbm>>) dst(%arg14 : memref<80x128xf32, #tpu.memory_space<vmem>>)
    "tpu.region"() ({
      %run_scoped3A = tpu.sem_alloc : memref<!tpu.dma_semaphore, #tpu.memory_space<semaphore_mem>>
      %dma_start3A_347 = arith.constant 0 : i32
      %dma_start3A_348 = arith.constant 0 : i32
      %dma_start3A_349 = tpu.memref_slice %arg18[%dma_start3A_347, %dma_start3A_348] : memref<10240x128xf32, #tpu.memory_space<vmem_shared>> -> memref<10240x128xf32, #tpu.memory_space<vmem_shared>>
      tpu.enqueue_indirect_dma source(%arg14 : memref<80x128xf32, #tpu.memory_space<vmem>>) target(%dma_start3A_349 : memref<10240x128xf32, #tpu.memory_space<vmem_shared>>) offsets(%arg10 : memref<80xi32, #tpu.memory_space<vmem>>) semaphore(%run_scoped3A : memref<!tpu.dma_semaphore, #tpu.memory_space<semaphore_mem>>) {add = true}
      %dma_wait3A_350 = arith.constant 0 : i32
      %dma_wait3A_351 = arith.constant 0 : i32
      %dma_wait3A_352 = tpu.memref_slice %arg18[%dma_wait3A_350, %dma_wait3A_351] : memref<10240x128xf32, #tpu.memory_space<vmem_shared>> -> memref<10240x128xf32, #tpu.memory_space<vmem_shared>>
      tpu.wait_indirect_dma semaphore(%run_scoped3A : memref<!tpu.dma_semaphore, #tpu.memory_space<semaphore_mem>>) src(%arg14 : memref<80x128xf32, #tpu.memory_space<vmem>>) dst(%dma_wait3A_352 : memref<10240x128xf32, #tpu.memory_space<vmem_shared>>)
      tpu.yield
    }) : () -> ()
    %barrier3A_106 = arith.constant 0 : index
    tpu.barrier barrier_id(%barrier3A_106)
    %mul3A_107 = arith.constant 640 : i32
    %mul3A_108 = arith.muli %arg1, %mul3A_107 : i32
    %add3A_109 = arith.constant 0 : i32
    %add3A_110 = arith.addi %mul3A_108, %add3A_109 : i32
    %dma_start3A_111 = arith.constant 0 : i32
    %dma_start3A_112 = tpu.memref_slice %arg20[%dma_start3A_111] : memref<4x!tpu.dma_semaphore, #tpu.memory_space<semaphore_mem>> -> memref<1x!tpu.dma_semaphore, #tpu.memory_space<semaphore_mem>>
    %dma_start3A_113 = tpu.memref_squeeze %dma_start3A_112 : memref<1x!tpu.dma_semaphore, #tpu.memory_space<semaphore_mem>> -> memref<!tpu.dma_semaphore, #tpu.memory_space<semaphore_mem>>
    %dma_start3A_114 = arith.constant 0 : i32
    %dma_start3A_115 = arith.constant 0 : i32
    %dma_start3A_116 = tpu.memref_slice %arg5[%arg0, %dma_start3A_114, %dma_start3A_115] : memref<2x10240x128xf32, #tpu.memory_space<hbm>> -> memref<1x10240x128xf32, #tpu.memory_space<hbm>>
    %dma_start3A_117 = tpu.memref_squeeze %dma_start3A_116 : memref<1x10240x128xf32, #tpu.memory_space<hbm>> -> memref<10240x128xf32, #tpu.memory_space<hbm>>
    %dma_start3A_118 = arith.constant 0 : i32
    %dma_start3A_119 = tpu.memref_slice %dma_start3A_117[%add3A_110, %dma_start3A_118] : memref<10240x128xf32, #tpu.memory_space<hbm>> -> memref<80x128xf32, #tpu.memory_space<hbm>>
    %dma_start3A_120 = arith.constant 0 : i32
    %dma_start3A_121 = tpu.memref_slice %arg18[%add3A_110, %dma_start3A_120] : memref<10240x128xf32, #tpu.memory_space<vmem_shared>> -> memref<80x128xf32, #tpu.memory_space<vmem_shared>>
    tpu.enqueue_dma source(%dma_start3A_121 : memref<80x128xf32, #tpu.memory_space<vmem_shared>>) target(%dma_start3A_119 : memref<80x128xf32, #tpu.memory_space<hbm>>) target_semaphore(%dma_start3A_113 : memref<!tpu.dma_semaphore, #tpu.memory_space<semaphore_mem>>)
    %mul3A_122 = arith.constant 640 : i32
    %mul3A_123 = arith.muli %arg1, %mul3A_122 : i32
    %add3A_124 = arith.constant 80 : i32
    %add3A_125 = arith.addi %mul3A_123, %add3A_124 : i32
    %dma_start3A_126 = arith.constant 0 : i32
    %dma_start3A_127 = tpu.memref_slice %arg20[%dma_start3A_126] : memref<4x!tpu.dma_semaphore, #tpu.memory_space<semaphore_mem>> -> memref<1x!tpu.dma_semaphore, #tpu.memory_space<semaphore_mem>>
    %dma_start3A_128 = tpu.memref_squeeze %dma_start3A_127 : memref<1x!tpu.dma_semaphore, #tpu.memory_space<semaphore_mem>> -> memref<!tpu.dma_semaphore, #tpu.memory_space<semaphore_mem>>
    %dma_start3A_129 = arith.constant 0 : i32
    %dma_start3A_130 = arith.constant 0 : i32
    %dma_start3A_131 = tpu.memref_slice %arg5[%arg0, %dma_start3A_129, %dma_start3A_130] : memref<2x10240x128xf32, #tpu.memory_space<hbm>> -> memref<1x10240x128xf32, #tpu.memory_space<hbm>>
    %dma_start3A_132 = tpu.memref_squeeze %dma_start3A_131 : memref<1x10240x128xf32, #tpu.memory_space<hbm>> -> memref<10240x128xf32, #tpu.memory_space<hbm>>
    %dma_start3A_133 = arith.constant 0 : i32
    %dma_start3A_134 = tpu.memref_slice %dma_start3A_132[%add3A_125, %dma_start3A_133] : memref<10240x128xf32, #tpu.memory_space<hbm>> -> memref<80x128xf32, #tpu.memory_space<hbm>>
    %dma_start3A_135 = arith.constant 0 : i32
    %dma_start3A_136 = tpu.memref_slice %arg18[%add3A_125, %dma_start3A_135] : memref<10240x128xf32, #tpu.memory_space<vmem_shared>> -> memref<80x128xf32, #tpu.memory_space<vmem_shared>>
    tpu.enqueue_dma source(%dma_start3A_136 : memref<80x128xf32, #tpu.memory_space<vmem_shared>>) target(%dma_start3A_134 : memref<80x128xf32, #tpu.memory_space<hbm>>) target_semaphore(%dma_start3A_128 : memref<!tpu.dma_semaphore, #tpu.memory_space<semaphore_mem>>)
    %mul3A_137 = arith.constant 640 : i32
    %mul3A_138 = arith.muli %arg1, %mul3A_137 : i32
    %add3A_139 = arith.constant 160 : i32
    %add3A_140 = arith.addi %mul3A_138, %add3A_139 : i32
    %dma_start3A_141 = arith.constant 0 : i32
    %dma_start3A_142 = tpu.memref_slice %arg20[%dma_start3A_141] : memref<4x!tpu.dma_semaphore, #tpu.memory_space<semaphore_mem>> -> memref<1x!tpu.dma_semaphore, #tpu.memory_space<semaphore_mem>>
    %dma_start3A_143 = tpu.memref_squeeze %dma_start3A_142 : memref<1x!tpu.dma_semaphore, #tpu.memory_space<semaphore_mem>> -> memref<!tpu.dma_semaphore, #tpu.memory_space<semaphore_mem>>
    %dma_start3A_144 = arith.constant 0 : i32
    %dma_start3A_145 = arith.constant 0 : i32
    %dma_start3A_146 = tpu.memref_slice %arg5[%arg0, %dma_start3A_144, %dma_start3A_145] : memref<2x10240x128xf32, #tpu.memory_space<hbm>> -> memref<1x10240x128xf32, #tpu.memory_space<hbm>>
    %dma_start3A_147 = tpu.memref_squeeze %dma_start3A_146 : memref<1x10240x128xf32, #tpu.memory_space<hbm>> -> memref<10240x128xf32, #tpu.memory_space<hbm>>
    %dma_start3A_148 = arith.constant 0 : i32
    %dma_start3A_149 = tpu.memref_slice %dma_start3A_147[%add3A_140, %dma_start3A_148] : memref<10240x128xf32, #tpu.memory_space<hbm>> -> memref<80x128xf32, #tpu.memory_space<hbm>>
    %dma_start3A_150 = arith.constant 0 : i32
    %dma_start3A_151 = tpu.memref_slice %arg18[%add3A_140, %dma_start3A_150] : memref<10240x128xf32, #tpu.memory_space<vmem_shared>> -> memref<80x128xf32, #tpu.memory_space<vmem_shared>>
    tpu.enqueue_dma source(%dma_start3A_151 : memref<80x128xf32, #tpu.memory_space<vmem_shared>>) target(%dma_start3A_149 : memref<80x128xf32, #tpu.memory_space<hbm>>) target_semaphore(%dma_start3A_143 : memref<!tpu.dma_semaphore, #tpu.memory_space<semaphore_mem>>)
    %mul3A_152 = arith.constant 640 : i32
    %mul3A_153 = arith.muli %arg1, %mul3A_152 : i32
    %add3A_154 = arith.constant 240 : i32
    %add3A_155 = arith.addi %mul3A_153, %add3A_154 : i32
    %dma_start3A_156 = arith.constant 0 : i32
    %dma_start3A_157 = tpu.memref_slice %arg20[%dma_start3A_156] : memref<4x!tpu.dma_semaphore, #tpu.memory_space<semaphore_mem>> -> memref<1x!tpu.dma_semaphore, #tpu.memory_space<semaphore_mem>>
    %dma_start3A_158 = tpu.memref_squeeze %dma_start3A_157 : memref<1x!tpu.dma_semaphore, #tpu.memory_space<semaphore_mem>> -> memref<!tpu.dma_semaphore, #tpu.memory_space<semaphore_mem>>
    %dma_start3A_159 = arith.constant 0 : i32
    %dma_start3A_160 = arith.constant 0 : i32
    %dma_start3A_161 = tpu.memref_slice %arg5[%arg0, %dma_start3A_159, %dma_start3A_160] : memref<2x10240x128xf32, #tpu.memory_space<hbm>> -> memref<1x10240x128xf32, #tpu.memory_space<hbm>>
    %dma_start3A_162 = tpu.memref_squeeze %dma_start3A_161 : memref<1x10240x128xf32, #tpu.memory_space<hbm>> -> memref<10240x128xf32, #tpu.memory_space<hbm>>
    %dma_start3A_163 = arith.constant 0 : i32
    %dma_start3A_164 = tpu.memref_slice %dma_start3A_162[%add3A_155, %dma_start3A_163] : memref<10240x128xf32, #tpu.memory_space<hbm>> -> memref<80x128xf32, #tpu.memory_space<hbm>>
    %dma_start3A_165 = arith.constant 0 : i32
    %dma_start3A_166 = tpu.memref_slice %arg18[%add3A_155, %dma_start3A_165] : memref<10240x128xf32, #tpu.memory_space<vmem_shared>> -> memref<80x128xf32, #tpu.memory_space<vmem_shared>>
    tpu.enqueue_dma source(%dma_start3A_166 : memref<80x128xf32, #tpu.memory_space<vmem_shared>>) target(%dma_start3A_164 : memref<80x128xf32, #tpu.memory_space<hbm>>) target_semaphore(%dma_start3A_158 : memref<!tpu.dma_semaphore, #tpu.memory_space<semaphore_mem>>)
    %mul3A_167 = arith.constant 640 : i32
    %mul3A_168 = arith.muli %arg1, %mul3A_167 : i32
    %add3A_169 = arith.constant 320 : i32
    %add3A_170 = arith.addi %mul3A_168, %add3A_169 : i32
    %dma_start3A_171 = arith.constant 0 : i32
    %dma_start3A_172 = tpu.memref_slice %arg20[%dma_start3A_171] : memref<4x!tpu.dma_semaphore, #tpu.memory_space<semaphore_mem>> -> memref<1x!tpu.dma_semaphore, #tpu.memory_space<semaphore_mem>>
    %dma_start3A_173 = tpu.memref_squeeze %dma_start3A_172 : memref<1x!tpu.dma_semaphore, #tpu.memory_space<semaphore_mem>> -> memref<!tpu.dma_semaphore, #tpu.memory_space<semaphore_mem>>
    %dma_start3A_174 = arith.constant 0 : i32
    %dma_start3A_175 = arith.constant 0 : i32
    %dma_start3A_176 = tpu.memref_slice %arg5[%arg0, %dma_start3A_174, %dma_start3A_175] : memref<2x10240x128xf32, #tpu.memory_space<hbm>> -> memref<1x10240x128xf32, #tpu.memory_space<hbm>>
    %dma_start3A_177 = tpu.memref_squeeze %dma_start3A_176 : memref<1x10240x128xf32, #tpu.memory_space<hbm>> -> memref<10240x128xf32, #tpu.memory_space<hbm>>
    %dma_start3A_178 = arith.constant 0 : i32
    %dma_start3A_179 = tpu.memref_slice %dma_start3A_177[%add3A_170, %dma_start3A_178] : memref<10240x128xf32, #tpu.memory_space<hbm>> -> memref<80x128xf32, #tpu.memory_space<hbm>>
    %dma_start3A_180 = arith.constant 0 : i32
    %dma_start3A_181 = tpu.memref_slice %arg18[%add3A_170, %dma_start3A_180] : memref<10240x128xf32, #tpu.memory_space<vmem_shared>> -> memref<80x128xf32, #tpu.memory_space<vmem_shared>>
    tpu.enqueue_dma source(%dma_start3A_181 : memref<80x128xf32, #tpu.memory_space<vmem_shared>>) target(%dma_start3A_179 : memref<80x128xf32, #tpu.memory_space<hbm>>) target_semaphore(%dma_start3A_173 : memref<!tpu.dma_semaphore, #tpu.memory_space<semaphore_mem>>)
    %mul3A_182 = arith.constant 640 : i32
    %mul3A_183 = arith.muli %arg1, %mul3A_182 : i32
    %add3A_184 = arith.constant 400 : i32
    %add3A_185 = arith.addi %mul3A_183, %add3A_184 : i32
    %dma_start3A_186 = arith.constant 0 : i32
    %dma_start3A_187 = tpu.memref_slice %arg20[%dma_start3A_186] : memref<4x!tpu.dma_semaphore, #tpu.memory_space<semaphore_mem>> -> memref<1x!tpu.dma_semaphore, #tpu.memory_space<semaphore_mem>>
    %dma_start3A_188 = tpu.memref_squeeze %dma_start3A_187 : memref<1x!tpu.dma_semaphore, #tpu.memory_space<semaphore_mem>> -> memref<!tpu.dma_semaphore, #tpu.memory_space<semaphore_mem>>
    %dma_start3A_189 = arith.constant 0 : i32
    %dma_start3A_190 = arith.constant 0 : i32
    %dma_start3A_191 = tpu.memref_slice %arg5[%arg0, %dma_start3A_189, %dma_start3A_190] : memref<2x10240x128xf32, #tpu.memory_space<hbm>> -> memref<1x10240x128xf32, #tpu.memory_space<hbm>>
    %dma_start3A_192 = tpu.memref_squeeze %dma_start3A_191 : memref<1x10240x128xf32, #tpu.memory_space<hbm>> -> memref<10240x128xf32, #tpu.memory_space<hbm>>
    %dma_start3A_193 = arith.constant 0 : i32
    %dma_start3A_194 = tpu.memref_slice %dma_start3A_192[%add3A_185, %dma_start3A_193] : memref<10240x128xf32, #tpu.memory_space<hbm>> -> memref<80x128xf32, #tpu.memory_space<hbm>>
    %dma_start3A_195 = arith.constant 0 : i32
    %dma_start3A_196 = tpu.memref_slice %arg18[%add3A_185, %dma_start3A_195] : memref<10240x128xf32, #tpu.memory_space<vmem_shared>> -> memref<80x128xf32, #tpu.memory_space<vmem_shared>>
    tpu.enqueue_dma source(%dma_start3A_196 : memref<80x128xf32, #tpu.memory_space<vmem_shared>>) target(%dma_start3A_194 : memref<80x128xf32, #tpu.memory_space<hbm>>) target_semaphore(%dma_start3A_188 : memref<!tpu.dma_semaphore, #tpu.memory_space<semaphore_mem>>)
    %mul3A_197 = arith.constant 640 : i32
    %mul3A_198 = arith.muli %arg1, %mul3A_197 : i32
    %add3A_199 = arith.constant 480 : i32
    %add3A_200 = arith.addi %mul3A_198, %add3A_199 : i32
    %dma_start3A_201 = arith.constant 0 : i32
    %dma_start3A_202 = tpu.memref_slice %arg20[%dma_start3A_201] : memref<4x!tpu.dma_semaphore, #tpu.memory_space<semaphore_mem>> -> memref<1x!tpu.dma_semaphore, #tpu.memory_space<semaphore_mem>>
    %dma_start3A_203 = tpu.memref_squeeze %dma_start3A_202 : memref<1x!tpu.dma_semaphore, #tpu.memory_space<semaphore_mem>> -> memref<!tpu.dma_semaphore, #tpu.memory_space<semaphore_mem>>
    %dma_start3A_204 = arith.constant 0 : i32
    %dma_start3A_205 = arith.constant 0 : i32
    %dma_start3A_206 = tpu.memref_slice %arg5[%arg0, %dma_start3A_204, %dma_start3A_205] : memref<2x10240x128xf32, #tpu.memory_space<hbm>> -> memref<1x10240x128xf32, #tpu.memory_space<hbm>>
    %dma_start3A_207 = tpu.memref_squeeze %dma_start3A_206 : memref<1x10240x128xf32, #tpu.memory_space<hbm>> -> memref<10240x128xf32, #tpu.memory_space<hbm>>
    %dma_start3A_208 = arith.constant 0 : i32
    %dma_start3A_209 = tpu.memref_slice %dma_start3A_207[%add3A_200, %dma_start3A_208] : memref<10240x128xf32, #tpu.memory_space<hbm>> -> memref<80x128xf32, #tpu.memory_space<hbm>>
    %dma_start3A_210 = arith.constant 0 : i32
    %dma_start3A_211 = tpu.memref_slice %arg18[%add3A_200, %dma_start3A_210] : memref<10240x128xf32, #tpu.memory_space<vmem_shared>> -> memref<80x128xf32, #tpu.memory_space<vmem_shared>>
    tpu.enqueue_dma source(%dma_start3A_211 : memref<80x128xf32, #tpu.memory_space<vmem_shared>>) target(%dma_start3A_209 : memref<80x128xf32, #tpu.memory_space<hbm>>) target_semaphore(%dma_start3A_203 : memref<!tpu.dma_semaphore, #tpu.memory_space<semaphore_mem>>)
    %mul3A_212 = arith.constant 640 : i32
    %mul3A_213 = arith.muli %arg1, %mul3A_212 : i32
    %add3A_214 = arith.constant 560 : i32
    %add3A_215 = arith.addi %mul3A_213, %add3A_214 : i32
    %dma_start3A_216 = arith.constant 0 : i32
    %dma_start3A_217 = tpu.memref_slice %arg20[%dma_start3A_216] : memref<4x!tpu.dma_semaphore, #tpu.memory_space<semaphore_mem>> -> memref<1x!tpu.dma_semaphore, #tpu.memory_space<semaphore_mem>>
    %dma_start3A_218 = tpu.memref_squeeze %dma_start3A_217 : memref<1x!tpu.dma_semaphore, #tpu.memory_space<semaphore_mem>> -> memref<!tpu.dma_semaphore, #tpu.memory_space<semaphore_mem>>
    %dma_start3A_219 = arith.constant 0 : i32
    %dma_start3A_220 = arith.constant 0 : i32
    %dma_start3A_221 = tpu.memref_slice %arg5[%arg0, %dma_start3A_219, %dma_start3A_220] : memref<2x10240x128xf32, #tpu.memory_space<hbm>> -> memref<1x10240x128xf32, #tpu.memory_space<hbm>>
    %dma_start3A_222 = tpu.memref_squeeze %dma_start3A_221 : memref<1x10240x128xf32, #tpu.memory_space<hbm>> -> memref<10240x128xf32, #tpu.memory_space<hbm>>
    %dma_start3A_223 = arith.constant 0 : i32
    %dma_start3A_224 = tpu.memref_slice %dma_start3A_222[%add3A_215, %dma_start3A_223] : memref<10240x128xf32, #tpu.memory_space<hbm>> -> memref<80x128xf32, #tpu.memory_space<hbm>>
    %dma_start3A_225 = arith.constant 0 : i32
    %dma_start3A_226 = tpu.memref_slice %arg18[%add3A_215, %dma_start3A_225] : memref<10240x128xf32, #tpu.memory_space<vmem_shared>> -> memref<80x128xf32, #tpu.memory_space<vmem_shared>>
    tpu.enqueue_dma source(%dma_start3A_226 : memref<80x128xf32, #tpu.memory_space<vmem_shared>>) target(%dma_start3A_224 : memref<80x128xf32, #tpu.memory_space<hbm>>) target_semaphore(%dma_start3A_218 : memref<!tpu.dma_semaphore, #tpu.memory_space<semaphore_mem>>)
    %mul3A_227 = arith.constant 640 : i32
    %mul3A_228 = arith.muli %arg1, %mul3A_227 : i32
    %add3A_229 = arith.constant 0 : i32
    %add3A_230 = arith.addi %mul3A_228, %add3A_229 : i32
    %dma_wait3A_231 = arith.constant 0 : i32
    %dma_wait3A_232 = tpu.memref_slice %arg20[%dma_wait3A_231] : memref<4x!tpu.dma_semaphore, #tpu.memory_space<semaphore_mem>> -> memref<1x!tpu.dma_semaphore, #tpu.memory_space<semaphore_mem>>
    %dma_wait3A_233 = tpu.memref_squeeze %dma_wait3A_232 : memref<1x!tpu.dma_semaphore, #tpu.memory_space<semaphore_mem>> -> memref<!tpu.dma_semaphore, #tpu.memory_space<semaphore_mem>>
    %dma_wait3A_234 = arith.constant 0 : i32
    %dma_wait3A_235 = arith.constant 0 : i32
    %dma_wait3A_236 = tpu.memref_slice %arg5[%arg0, %dma_wait3A_234, %dma_wait3A_235] : memref<2x10240x128xf32, #tpu.memory_space<hbm>> -> memref<1x10240x128xf32, #tpu.memory_space<hbm>>
    %dma_wait3A_237 = tpu.memref_squeeze %dma_wait3A_236 : memref<1x10240x128xf32, #tpu.memory_space<hbm>> -> memref<10240x128xf32, #tpu.memory_space<hbm>>
    %dma_wait3A_238 = arith.constant 0 : i32
    %dma_wait3A_239 = tpu.memref_slice %dma_wait3A_237[%add3A_230, %dma_wait3A_238] : memref<10240x128xf32, #tpu.memory_space<hbm>> -> memref<80x128xf32, #tpu.memory_space<hbm>>
    %dma_wait3A_240 = arith.constant 0 : i32
    %dma_wait3A_241 = tpu.memref_slice %arg18[%add3A_230, %dma_wait3A_240] : memref<10240x128xf32, #tpu.memory_space<vmem_shared>> -> memref<80x128xf32, #tpu.memory_space<vmem_shared>>
    tpu.wait_dma2 semaphore(%dma_wait3A_233 : memref<!tpu.dma_semaphore, #tpu.memory_space<semaphore_mem>>) src(%dma_wait3A_241 : memref<80x128xf32, #tpu.memory_space<vmem_shared>>) dst(%dma_wait3A_239 : memref<80x128xf32, #tpu.memory_space<hbm>>)
    %mul3A_242 = arith.constant 640 : i32
    %mul3A_243 = arith.muli %arg1, %mul3A_242 : i32
    %add3A_244 = arith.constant 80 : i32
    %add3A_245 = arith.addi %mul3A_243, %add3A_244 : i32
    %dma_wait3A_246 = arith.constant 0 : i32
    %dma_wait3A_247 = tpu.memref_slice %arg20[%dma_wait3A_246] : memref<4x!tpu.dma_semaphore, #tpu.memory_space<semaphore_mem>> -> memref<1x!tpu.dma_semaphore, #tpu.memory_space<semaphore_mem>>
    %dma_wait3A_248 = tpu.memref_squeeze %dma_wait3A_247 : memref<1x!tpu.dma_semaphore, #tpu.memory_space<semaphore_mem>> -> memref<!tpu.dma_semaphore, #tpu.memory_space<semaphore_mem>>
    %dma_wait3A_249 = arith.constant 0 : i32
    %dma_wait3A_250 = arith.constant 0 : i32
    %dma_wait3A_251 = tpu.memref_slice %arg5[%arg0, %dma_wait3A_249, %dma_wait3A_250] : memref<2x10240x128xf32, #tpu.memory_space<hbm>> -> memref<1x10240x128xf32, #tpu.memory_space<hbm>>
    %dma_wait3A_252 = tpu.memref_squeeze %dma_wait3A_251 : memref<1x10240x128xf32, #tpu.memory_space<hbm>> -> memref<10240x128xf32, #tpu.memory_space<hbm>>
    %dma_wait3A_253 = arith.constant 0 : i32
    %dma_wait3A_254 = tpu.memref_slice %dma_wait3A_252[%add3A_245, %dma_wait3A_253] : memref<10240x128xf32, #tpu.memory_space<hbm>> -> memref<80x128xf32, #tpu.memory_space<hbm>>
    %dma_wait3A_255 = arith.constant 0 : i32
    %dma_wait3A_256 = tpu.memref_slice %arg18[%add3A_245, %dma_wait3A_255] : memref<10240x128xf32, #tpu.memory_space<vmem_shared>> -> memref<80x128xf32, #tpu.memory_space<vmem_shared>>
    tpu.wait_dma2 semaphore(%dma_wait3A_248 : memref<!tpu.dma_semaphore, #tpu.memory_space<semaphore_mem>>) src(%dma_wait3A_256 : memref<80x128xf32, #tpu.memory_space<vmem_shared>>) dst(%dma_wait3A_254 : memref<80x128xf32, #tpu.memory_space<hbm>>)
    %mul3A_257 = arith.constant 640 : i32
    %mul3A_258 = arith.muli %arg1, %mul3A_257 : i32
    %add3A_259 = arith.constant 160 : i32
    %add3A_260 = arith.addi %mul3A_258, %add3A_259 : i32
    %dma_wait3A_261 = arith.constant 0 : i32
    %dma_wait3A_262 = tpu.memref_slice %arg20[%dma_wait3A_261] : memref<4x!tpu.dma_semaphore, #tpu.memory_space<semaphore_mem>> -> memref<1x!tpu.dma_semaphore, #tpu.memory_space<semaphore_mem>>
    %dma_wait3A_263 = tpu.memref_squeeze %dma_wait3A_262 : memref<1x!tpu.dma_semaphore, #tpu.memory_space<semaphore_mem>> -> memref<!tpu.dma_semaphore, #tpu.memory_space<semaphore_mem>>
    %dma_wait3A_264 = arith.constant 0 : i32
    %dma_wait3A_265 = arith.constant 0 : i32
    %dma_wait3A_266 = tpu.memref_slice %arg5[%arg0, %dma_wait3A_264, %dma_wait3A_265] : memref<2x10240x128xf32, #tpu.memory_space<hbm>> -> memref<1x10240x128xf32, #tpu.memory_space<hbm>>
    %dma_wait3A_267 = tpu.memref_squeeze %dma_wait3A_266 : memref<1x10240x128xf32, #tpu.memory_space<hbm>> -> memref<10240x128xf32, #tpu.memory_space<hbm>>
    %dma_wait3A_268 = arith.constant 0 : i32
    %dma_wait3A_269 = tpu.memref_slice %dma_wait3A_267[%add3A_260, %dma_wait3A_268] : memref<10240x128xf32, #tpu.memory_space<hbm>> -> memref<80x128xf32, #tpu.memory_space<hbm>>
    %dma_wait3A_270 = arith.constant 0 : i32
    %dma_wait3A_271 = tpu.memref_slice %arg18[%add3A_260, %dma_wait3A_270] : memref<10240x128xf32, #tpu.memory_space<vmem_shared>> -> memref<80x128xf32, #tpu.memory_space<vmem_shared>>
    tpu.wait_dma2 semaphore(%dma_wait3A_263 : memref<!tpu.dma_semaphore, #tpu.memory_space<semaphore_mem>>) src(%dma_wait3A_271 : memref<80x128xf32, #tpu.memory_space<vmem_shared>>) dst(%dma_wait3A_269 : memref<80x128xf32, #tpu.memory_space<hbm>>)
    %mul3A_272 = arith.constant 640 : i32
    %mul3A_273 = arith.muli %arg1, %mul3A_272 : i32
    %add3A_274 = arith.constant 240 : i32
    %add3A_275 = arith.addi %mul3A_273, %add3A_274 : i32
    %dma_wait3A_276 = arith.constant 0 : i32
    %dma_wait3A_277 = tpu.memref_slice %arg20[%dma_wait3A_276] : memref<4x!tpu.dma_semaphore, #tpu.memory_space<semaphore_mem>> -> memref<1x!tpu.dma_semaphore, #tpu.memory_space<semaphore_mem>>
    %dma_wait3A_278 = tpu.memref_squeeze %dma_wait3A_277 : memref<1x!tpu.dma_semaphore, #tpu.memory_space<semaphore_mem>> -> memref<!tpu.dma_semaphore, #tpu.memory_space<semaphore_mem>>
    %dma_wait3A_279 = arith.constant 0 : i32
    %dma_wait3A_280 = arith.constant 0 : i32
    %dma_wait3A_281 = tpu.memref_slice %arg5[%arg0, %dma_wait3A_279, %dma_wait3A_280] : memref<2x10240x128xf32, #tpu.memory_space<hbm>> -> memref<1x10240x128xf32, #tpu.memory_space<hbm>>
    %dma_wait3A_282 = tpu.memref_squeeze %dma_wait3A_281 : memref<1x10240x128xf32, #tpu.memory_space<hbm>> -> memref<10240x128xf32, #tpu.memory_space<hbm>>
    %dma_wait3A_283 = arith.constant 0 : i32
    %dma_wait3A_284 = tpu.memref_slice %dma_wait3A_282[%add3A_275, %dma_wait3A_283] : memref<10240x128xf32, #tpu.memory_space<hbm>> -> memref<80x128xf32, #tpu.memory_space<hbm>>
    %dma_wait3A_285 = arith.constant 0 : i32
    %dma_wait3A_286 = tpu.memref_slice %arg18[%add3A_275, %dma_wait3A_285] : memref<10240x128xf32, #tpu.memory_space<vmem_shared>> -> memref<80x128xf32, #tpu.memory_space<vmem_shared>>
    tpu.wait_dma2 semaphore(%dma_wait3A_278 : memref<!tpu.dma_semaphore, #tpu.memory_space<semaphore_mem>>) src(%dma_wait3A_286 : memref<80x128xf32, #tpu.memory_space<vmem_shared>>) dst(%dma_wait3A_284 : memref<80x128xf32, #tpu.memory_space<hbm>>)
    %mul3A_287 = arith.constant 640 : i32
    %mul3A_288 = arith.muli %arg1, %mul3A_287 : i32
    %add3A_289 = arith.constant 320 : i32
    %add3A_290 = arith.addi %mul3A_288, %add3A_289 : i32
    %dma_wait3A_291 = arith.constant 0 : i32
    %dma_wait3A_292 = tpu.memref_slice %arg20[%dma_wait3A_291] : memref<4x!tpu.dma_semaphore, #tpu.memory_space<semaphore_mem>> -> memref<1x!tpu.dma_semaphore, #tpu.memory_space<semaphore_mem>>
    %dma_wait3A_293 = tpu.memref_squeeze %dma_wait3A_292 : memref<1x!tpu.dma_semaphore, #tpu.memory_space<semaphore_mem>> -> memref<!tpu.dma_semaphore, #tpu.memory_space<semaphore_mem>>
    %dma_wait3A_294 = arith.constant 0 : i32
    %dma_wait3A_295 = arith.constant 0 : i32
    %dma_wait3A_296 = tpu.memref_slice %arg5[%arg0, %dma_wait3A_294, %dma_wait3A_295] : memref<2x10240x128xf32, #tpu.memory_space<hbm>> -> memref<1x10240x128xf32, #tpu.memory_space<hbm>>
    %dma_wait3A_297 = tpu.memref_squeeze %dma_wait3A_296 : memref<1x10240x128xf32, #tpu.memory_space<hbm>> -> memref<10240x128xf32, #tpu.memory_space<hbm>>
    %dma_wait3A_298 = arith.constant 0 : i32
    %dma_wait3A_299 = tpu.memref_slice %dma_wait3A_297[%add3A_290, %dma_wait3A_298] : memref<10240x128xf32, #tpu.memory_space<hbm>> -> memref<80x128xf32, #tpu.memory_space<hbm>>
    %dma_wait3A_300 = arith.constant 0 : i32
    %dma_wait3A_301 = tpu.memref_slice %arg18[%add3A_290, %dma_wait3A_300] : memref<10240x128xf32, #tpu.memory_space<vmem_shared>> -> memref<80x128xf32, #tpu.memory_space<vmem_shared>>
    tpu.wait_dma2 semaphore(%dma_wait3A_293 : memref<!tpu.dma_semaphore, #tpu.memory_space<semaphore_mem>>) src(%dma_wait3A_301 : memref<80x128xf32, #tpu.memory_space<vmem_shared>>) dst(%dma_wait3A_299 : memref<80x128xf32, #tpu.memory_space<hbm>>)
    %mul3A_302 = arith.constant 640 : i32
    %mul3A_303 = arith.muli %arg1, %mul3A_302 : i32
    %add3A_304 = arith.constant 400 : i32
    %add3A_305 = arith.addi %mul3A_303, %add3A_304 : i32
    %dma_wait3A_306 = arith.constant 0 : i32
    %dma_wait3A_307 = tpu.memref_slice %arg20[%dma_wait3A_306] : memref<4x!tpu.dma_semaphore, #tpu.memory_space<semaphore_mem>> -> memref<1x!tpu.dma_semaphore, #tpu.memory_space<semaphore_mem>>
    %dma_wait3A_308 = tpu.memref_squeeze %dma_wait3A_307 : memref<1x!tpu.dma_semaphore, #tpu.memory_space<semaphore_mem>> -> memref<!tpu.dma_semaphore, #tpu.memory_space<semaphore_mem>>
    %dma_wait3A_309 = arith.constant 0 : i32
    %dma_wait3A_310 = arith.constant 0 : i32
    %dma_wait3A_311 = tpu.memref_slice %arg5[%arg0, %dma_wait3A_309, %dma_wait3A_310] : memref<2x10240x128xf32, #tpu.memory_space<hbm>> -> memref<1x10240x128xf32, #tpu.memory_space<hbm>>
    %dma_wait3A_312 = tpu.memref_squeeze %dma_wait3A_311 : memref<1x10240x128xf32, #tpu.memory_space<hbm>> -> memref<10240x128xf32, #tpu.memory_space<hbm>>
    %dma_wait3A_313 = arith.constant 0 : i32
    %dma_wait3A_314 = tpu.memref_slice %dma_wait3A_312[%add3A_305, %dma_wait3A_313] : memref<10240x128xf32, #tpu.memory_space<hbm>> -> memref<80x128xf32, #tpu.memory_space<hbm>>
    %dma_wait3A_315 = arith.constant 0 : i32
    %dma_wait3A_316 = tpu.memref_slice %arg18[%add3A_305, %dma_wait3A_315] : memref<10240x128xf32, #tpu.memory_space<vmem_shared>> -> memref<80x128xf32, #tpu.memory_space<vmem_shared>>
    tpu.wait_dma2 semaphore(%dma_wait3A_308 : memref<!tpu.dma_semaphore, #tpu.memory_space<semaphore_mem>>) src(%dma_wait3A_316 : memref<80x128xf32, #tpu.memory_space<vmem_shared>>) dst(%dma_wait3A_314 : memref<80x128xf32, #tpu.memory_space<hbm>>)
    %mul3A_317 = arith.constant 640 : i32
    %mul3A_318 = arith.muli %arg1, %mul3A_317 : i32
    %add3A_319 = arith.constant 480 : i32
    %add3A_320 = arith.addi %mul3A_318, %add3A_319 : i32
    %dma_wait3A_321 = arith.constant 0 : i32
    %dma_wait3A_322 = tpu.memref_slice %arg20[%dma_wait3A_321] : memref<4x!tpu.dma_semaphore, #tpu.memory_space<semaphore_mem>> -> memref<1x!tpu.dma_semaphore, #tpu.memory_space<semaphore_mem>>
    %dma_wait3A_323 = tpu.memref_squeeze %dma_wait3A_322 : memref<1x!tpu.dma_semaphore, #tpu.memory_space<semaphore_mem>> -> memref<!tpu.dma_semaphore, #tpu.memory_space<semaphore_mem>>
    %dma_wait3A_324 = arith.constant 0 : i32
    %dma_wait3A_325 = arith.constant 0 : i32
    %dma_wait3A_326 = tpu.memref_slice %arg5[%arg0, %dma_wait3A_324, %dma_wait3A_325] : memref<2x10240x128xf32, #tpu.memory_space<hbm>> -> memref<1x10240x128xf32, #tpu.memory_space<hbm>>
    %dma_wait3A_327 = tpu.memref_squeeze %dma_wait3A_326 : memref<1x10240x128xf32, #tpu.memory_space<hbm>> -> memref<10240x128xf32, #tpu.memory_space<hbm>>
    %dma_wait3A_328 = arith.constant 0 : i32
    %dma_wait3A_329 = tpu.memref_slice %dma_wait3A_327[%add3A_320, %dma_wait3A_328] : memref<10240x128xf32, #tpu.memory_space<hbm>> -> memref<80x128xf32, #tpu.memory_space<hbm>>
    %dma_wait3A_330 = arith.constant 0 : i32
    %dma_wait3A_331 = tpu.memref_slice %arg18[%add3A_320, %dma_wait3A_330] : memref<10240x128xf32, #tpu.memory_space<vmem_shared>> -> memref<80x128xf32, #tpu.memory_space<vmem_shared>>
    tpu.wait_dma2 semaphore(%dma_wait3A_323 : memref<!tpu.dma_semaphore, #tpu.memory_space<semaphore_mem>>) src(%dma_wait3A_331 : memref<80x128xf32, #tpu.memory_space<vmem_shared>>) dst(%dma_wait3A_329 : memref<80x128xf32, #tpu.memory_space<hbm>>)
    %mul3A_332 = arith.constant 640 : i32
    %mul3A_333 = arith.muli %arg1, %mul3A_332 : i32
    %add3A_334 = arith.constant 560 : i32
    %add3A_335 = arith.addi %mul3A_333, %add3A_334 : i32
    %dma_wait3A_336 = arith.constant 0 : i32
    %dma_wait3A_337 = tpu.memref_slice %arg20[%dma_wait3A_336] : memref<4x!tpu.dma_semaphore, #tpu.memory_space<semaphore_mem>> -> memref<1x!tpu.dma_semaphore, #tpu.memory_space<semaphore_mem>>
    %dma_wait3A_338 = tpu.memref_squeeze %dma_wait3A_337 : memref<1x!tpu.dma_semaphore, #tpu.memory_space<semaphore_mem>> -> memref<!tpu.dma_semaphore, #tpu.memory_space<semaphore_mem>>
    %dma_wait3A_339 = arith.constant 0 : i32
    %dma_wait3A_340 = arith.constant 0 : i32
    %dma_wait3A_341 = tpu.memref_slice %arg5[%arg0, %dma_wait3A_339, %dma_wait3A_340] : memref<2x10240x128xf32, #tpu.memory_space<hbm>> -> memref<1x10240x128xf32, #tpu.memory_space<hbm>>
    %dma_wait3A_342 = tpu.memref_squeeze %dma_wait3A_341 : memref<1x10240x128xf32, #tpu.memory_space<hbm>> -> memref<10240x128xf32, #tpu.memory_space<hbm>>
    %dma_wait3A_343 = arith.constant 0 : i32
    %dma_wait3A_344 = tpu.memref_slice %dma_wait3A_342[%add3A_335, %dma_wait3A_343] : memref<10240x128xf32, #tpu.memory_space<hbm>> -> memref<80x128xf32, #tpu.memory_space<hbm>>
    %dma_wait3A_345 = arith.constant 0 : i32
    %dma_wait3A_346 = tpu.memref_slice %arg18[%add3A_335, %dma_wait3A_345] : memref<10240x128xf32, #tpu.memory_space<vmem_shared>> -> memref<80x128xf32, #tpu.memory_space<vmem_shared>>
    tpu.wait_dma2 semaphore(%dma_wait3A_338 : memref<!tpu.dma_semaphore, #tpu.memory_space<semaphore_mem>>) src(%dma_wait3A_346 : memref<80x128xf32, #tpu.memory_space<vmem_shared>>) dst(%dma_wait3A_344 : memref<80x128xf32, #tpu.memory_space<hbm>>)
    return
  }
}

module attributes {stable_mosaic.version = 14 : i64} {
  func.func @_combine_body(%arg0: i32, %arg1: memref<2x2000x128xf32, #tpu.memory_space<vmem>>, %arg2: memref<2000x128xf32, #tpu.memory_space<vmem>>) attributes {dimension_semantics = [#tpu.dimension_semantics<arbitrary>], iteration_bounds = array<i64: 5>, scalar_prefetch = 0 : i64, scratch_operands = 0 : i64, tpu.core_type = #tpu.core_type<tc>, window_params = [{transform_indices = @transform_0, window_bounds = array<i64: 2, 2000, 128>}, {transform_indices = @transform_1, window_bounds = array<i64: 2000, 128>}]} {
    %get3A = arith.constant 0 : index
    %get3A_0 = arith.constant 0 : index
    %get3A_1 = arith.constant 0 : index
    %get3A_2 = vector.load %arg1[%get3A, %get3A_0, %get3A_1] : memref<2x2000x128xf32, #tpu.memory_space<vmem>>, vector<1x2000x128xf32>
    %get3A_3 = vector.shape_cast %get3A_2 : vector<1x2000x128xf32> to vector<2000x128xf32>
    %get3A_4 = arith.constant 1 : index
    %get3A_5 = arith.constant 0 : index
    %get3A_6 = arith.constant 0 : index
    %get3A_7 = vector.load %arg1[%get3A_4, %get3A_5, %get3A_6] : memref<2x2000x128xf32, #tpu.memory_space<vmem>>, vector<1x2000x128xf32>
    %get3A_8 = vector.shape_cast %get3A_7 : vector<1x2000x128xf32> to vector<2000x128xf32>
    %add3A = arith.addf %get3A_3, %get3A_8 : vector<2000x128xf32>
    %swap3A = arith.constant 0 : index
    %swap3A_9 = arith.constant 0 : index
    %swap3A_10 = vector.load %arg2[%swap3A, %swap3A_9] : memref<2000x128xf32, #tpu.memory_space<vmem>>, vector<2000x128xf32>
    tpu.vector_store %arg2[%swap3A, %swap3A_9], %add3A {strides = array<i32>} : memref<2000x128xf32, #tpu.memory_space<vmem>>, vector<2000x128xf32>,
    return
  }
  func.func @transform_0(%arg0: i32) -> (i32, i32, i32) {
    %c0_i32 = arith.constant 0 : i32
    %c0_i32_0 = arith.constant 0 : i32
    %c0_i32_1 = arith.constant 0 : i32
    return %c0_i32, %arg0, %c0_i32_0 : i32, i32, i32
  }
  func.func @transform_1(%arg0: i32) -> (i32, i32) {
    %c0_i32 = arith.constant 0 : i32
    %c0_i32_0 = arith.constant 0 : i32
    return %arg0, %c0_i32 : i32, i32
  }
}

</mosaic_0001>

<sc_bundles>
// kernel: kernel.4.cloned.1.call-start
scs
__scs_entry_jumppad:
0x0: {  	(pc) =	sbr.rel $0x88, $3  }
0x1: {  	(tag) =	ssettag $0x0;
	lr =	simm.s32 $0x1  }
0x2: {  	[smem:$0x3F9F] =	sst lr;
	_ =	strace $0xD0000000  }
0x3: {  	_ = 	snop  }
0x4: {  	_ = 	snop  }
0x5: {  	_ = 	snop  }
0x6: {  	_ = 	snop  }
0x7: {  	_ = 	snop  }
__scs_overlays_trampoline_lowered:
0x8: {  	[smem:$0x3FAE] =	sst s0  }
0x9: {  	[smem:$0x3FAF] =	sst s1  }
0xa: {  	[smem:$0x3FB0] =	sst s2  }
0xb: {  	[smem:$0x3FB1] =	sst s3  }
0xc: {  	[smem:$0x3FB2] =	sst s4  }
0xd: {  	[smem:$0x3FB3] =	sst s5  }
0xe: {  	[smem:$0x3FB4] =	sst s6  }
0xf: {  	[smem:$0x3FB5] =	sst s7  }
0x10: {  	[smem:$0x3FB6] =	sst s8  }
0x11: {  	[smem:$0x3FB7] =	sst s9;
	s0 =	simm.s32 @!p0 $0x0  }
0x12: {  	s1 =	sld [smem:$0x3F9D];
	s0 =	simm.s32 @p0 $0x1  }
0x13: {  	[smem:$0x3FB8] =	sst s0;
	s0 =	simm.s32 @!p1 $0x0  }
0x14: {  	s2 =	sld [smem:$0x3F9C];
	s0 =	simm.s32 @p1 $0x1  }
0x15: {  	[smem:$0x3FB9] =	sst s0;
	s0 =	simm.s32 @!p2 $0x0  }
0x16: {  	s3 =	sld [smem:$0x3FDB];
	s0 =	simm.s32 @p2 $0x1  }
0x17: {  	s4 =	simm.s32 $0x1BF5;
	[smem:$0x3FBB] =	sst s0  }
0x18: {  	s0 =	sld [smem:$0x3F9E];
	_ =	swait.ge [sflag:s4], $0x0  }
0x19: {  	s7 =	sld [smem:$0x3F9F]  }
0x1a: {  	s8 =	sadd.s32 $0xFFFFE003, lr  }
0x1b: {  	s9 =	sadd.s32 $0xFFFFFEF7, lr;
	s5 =	simm.s32 $0xFFFFFFFF;
	p2 =	slt.u32 s8, $0xFFFFF086  }
0x1c: {  	p1 =	slt.u32 s9, $0xF7A;
	s5 =	simm.s32 @!p2 $0x0  }
0x1d: {  	s5 =	simm.s32 @p1 $0x1;
	p0 =	seq.s32 s7, s2  }
0x1e: {  	s7 =	smul.u32 @!p0 $0xF7A, s2;
	p2 =	seq.s32 @!p0 s5, $0x0  }
0x1f: {  	s9 =	smul.u32 $0xF7A, s1;
	s8 =	simm.s32 @!p0 $0x1BF5;
	p2 =	por !p2, p0  }
0x20: {  	[sflag:s8] =	ssyncset.s32 @!p0 $0xFFFFF086;
	s6 =	sadd.s32 @!p0 s3, s7;
	s7 =	simm.s32 @!p0 $0x108  }
0x21: {  	s3 =	sadd.s32 s3, s9;
	s6 =	sadd.s32 @!p0 $0x88, s6;
	s7 =	simm.s32 @p2 $0x1082  }
0x22: {  	[simem:s7], [sflag:s8] =	dma.local @!p0 [hbm:s6], $0xF7A  }
0x23: {  	s9 =	sor.u32 $0xD0000000, s2;
	s6 =	simm.s32 $0x108;
	_ =	swait.ge @!p0 [sflag:s8], $0x0  }
0x24: {  	s3 =	sadd.s32 $0x88, s3;
	s6 =	simm.s32 @!p1 $0x1082;
	[sflag:s4] =	ssyncset.s32 $0xFFFFF086  }
0x25: {  	[simem:s6], [sflag:s4] =	dma.local [hbm:s3], $0xF7A  }
0x26: {  	[smem:$0x3F9F] =	sst s1;
	(tag) =	ssettag s2;
	_ =	strace s9  }
0x27: {  	s1 =	sld [smem:$0x3FAF]  }
0x28: {  	s2 =	sld [smem:$0x3FB0]  }
0x29: {  	s4 =	sld [smem:$0x3FB2]  }
0x2a: {  	p0 =	seq.s32 s5, $0x0;
	s5 =	sld [smem:$0x3FB3]  }
0x2b: {  	s6 =	sld [smem:$0x3FB4]  }
0x2c: {  	s7 =	sld [smem:$0x3FB5]  }
0x2d: {  	s3 =	simm.s32 $0x108;
	s8 =	sld [smem:$0x3FB6]  }
0x2e: {  	s3 =	simm.s32 @!p0 $0x1082;
	s9 =	sld [smem:$0x3FB7]  }
0x2f: {  	lr =	sadd.s32 s0, s3;
	s0 =	sld [smem:$0x3FAE]  }
0x30: {  	s3 =	sld [smem:$0x3FB1]  }
0x31: {  	[smem:$0x3FBA] =	sst s10  }
0x32: {  	s10 =	sld [smem:$0x3FB8];
	_ =	sdelay $0x3  }
0x33: {  	p0 =	seq.s32 s10, $0x1;
	s10 =	sld [smem:$0x3FBA];
	_ =	sdelay $0x3  }
0x34: {  	[smem:$0x3FBA] =	sst s10  }
0x35: {  	s10 =	sld [smem:$0x3FB9];
	_ =	sdelay $0x3  }
0x36: {  	p1 =	seq.s32 s10, $0x1;
	s10 =	sld [smem:$0x3FBA];
	_ =	sdelay $0x3  }
0x37: {  	[smem:$0x3FBA] =	sst s10  }
0x38: {  	s10 =	sld [smem:$0x3FBB]  }
0x39: {  	_ = 	snop;
	(pc) =	sbr.ind lr, $3  }
0x3a: {  	_ = 	snop  }
0x3b: {  	_ = 	snop  }
0x3c: {  	p2 =	seq.s32 s10, $0x1;
	s10 =	sld [smem:$0x3FBA]  }
0x3d: {  	_ =	shalt  }
0x3e: {  	_ =	shalt  }
0x3f: {  	_ =	shalt  }
0x40: {  	_ =	shalt  }
0x41: {  	_ =	shalt  }
0x42: {  	_ =	shalt  }
0x43: {  	_ =	shalt  }
0x44: {  	_ =	shalt  }
0x45: {  	_ =	shalt  }
0x46: {  	_ =	shalt  }
0x47: {  	_ =	shalt  }
0x48: {  	_ =	shalt  }
0x49: {  	_ =	shalt  }
0x4a: {  	_ =	shalt  }
0x4b: {  	_ =	shalt  }
0x4c: {  	_ =	shalt  }
0x4d: {  	_ =	shalt  }
0x4e: {  	_ =	shalt  }
0x4f: {  	_ =	shalt  }
0x50: {  	_ =	shalt  }
0x51: {  	_ =	shalt  }
0x52: {  	_ =	shalt  }
0x53: {  	_ =	shalt  }
0x54: {  	_ =	shalt  }
0x55: {  	_ =	shalt  }
0x56: {  	_ =	shalt  }
0x57: {  	_ =	shalt  }
0x58: {  	_ =	shalt  }
0x59: {  	_ =	shalt  }
0x5a: {  	_ =	shalt  }
0x5b: {  	_ =	shalt  }
0x5c: {  	_ =	shalt  }
0x5d: {  	_ =	shalt  }
0x5e: {  	_ =	shalt  }
0x5f: {  	_ =	shalt  }
0x60: {  	_ =	shalt  }
0x61: {  	_ =	shalt  }
0x62: {  	_ =	shalt  }
0x63: {  	_ =	shalt  }
0x64: {  	_ =	shalt  }
0x65: {  	_ =	shalt  }
0x66: {  	_ =	shalt  }
0x67: {  	_ =	shalt  }
0x68: {  	_ =	shalt  }
0x69: {  	_ =	shalt  }
0x6a: {  	_ =	shalt  }
0x6b: {  	_ =	shalt  }
0x6c: {  	_ =	shalt  }
0x6d: {  	_ =	shalt  }
0x6e: {  	_ =	shalt  }
0x6f: {  	_ =	shalt  }
0x70: {  	_ =	shalt  }
0x71: {  	_ =	shalt  }
0x72: {  	_ =	shalt  }
0x73: {  	_ =	shalt  }
0x74: {  	_ =	shalt  }
0x75: {  	_ =	shalt  }
0x76: {  	_ =	shalt  }
0x77: {  	_ =	shalt  }
0x78: {  	_ =	shalt  }
0x79: {  	_ =	shalt  }
0x7a: {  	_ =	shalt  }
0x7b: {  	_ =	shalt  }
0x7c: {  	_ =	shalt  }
0x7d: {  	_ =	shalt  }
0x7e: {  	_ =	shalt  }
0x7f: {  	_ =	shalt  }
0x80: {  	_ =	shalt  }
0x81: {  	_ =	shalt  }
0x82: {  	_ =	shalt  }
0x83: {  	_ =	shalt  }
0x84: {  	_ =	shalt  }
0x85: {  	_ =	shalt  }
0x86: {  	_ =	shalt  }
0x87: {  	_ =	shalt  }
.Lfunc_end0:
.L_simem_size_0:
called_computation_lowered:
.L_overlay_start_0:
0x88: {  	s2 =	sld [smem:$0x3FD9]  }
0x89: {  	s3 =	sld [smem:$0x3FFE];
	_ =	sdelay $0x1  }
0x8a: {  	s1 =	srdreg.scid  }
0x8b: {  	s0 =	sand.u32 $0x1, s1  }
0x8c: {  	s17 =	sshll.u32 s0, $0xA;
	s2 =	sadd.s32 s3, s2  }
0x8d: {  	s2 =	sadd.s32 s2, s17  }
0x8e: {  	[smem:$0x3FC6] =	sst s2  }
0x8f: {  	_ = 	snop  }
0x90: {  	s2 =	sld [smem:$0x3FC9]  }
0x91: {  	s18 =	sld [smem:$0x3FD0];
	(tm) =	ssettm $0x1  }
0x92: {  	s4 =	sld [smem:$0x3FFB];
	_ =	sdelay $0x3  }
0x93: {  	_ =	strace s4  }
0x94: {  	s4 =	sld [smem:$0x3FFC];
	_ =	sdelay $0x3  }
0x95: {  	_ =	strace s4  }
0x96: {  	s4 =	sld [smem:$0x3FFD];
	_ =	sdelay $0x3  }
0x97: {  	_ =	strace s4  }
0x98: {  	_ =	strace $0x8FFFFFFF  }
0x99: {  	s19 =	sld [smem:$0x3FDB];
	_ =	sdelay $0x1  }
0x9a: {  	s5 =	simm.s32 $_scs_section_size  }
0x9b: {  	s6 =	simm.s32 $_size__tile_overlayer_lowered;
	s7 =	simm.s32 $_tile_overlayer_lowered  }
0x9c: {  	s22 =	simm.s32 $0x1BFF;
	s21 =	sshll.u32 s7, $0x1;
	s4 =	sadd.s32 s5, s19  }
0x9d: {  	s8 =	simm.s32 $0x0;
	s20 =	sshll.u32 s6, $0x1;
	s6 =	sadd.s32 s21, s4  }
0x9e: {  	[timem:s8], [sflag:s22] =	dma.local [hbm:s6], s20  }
0x9f: {  	_ =	swait.ge [sflag:s22], s20  }
0xa0: {  	s5 =	ssub.s32 $0x0, s20;
	[sflag:s22] =	ssyncset.done $0x0  }
0xa1: {  	[sflag:s22] =	ssyncadd.s32 s5;
	_ =	sdelay $0x1  }
0xa2: {  	s23 =	simm.s32 $0x1B8B  }
0xa3: {  	_ =	swait.ge [sflag:s23], $0x1  }
0xa4: {  	[sflag:s23] =	ssyncset.done $0x0  }
0xa5: {  	s25 =	simm.s32 $0x1B8E;
	s24 =	sld [smem:$0x3FFE];
	[sflag:s23] =	ssyncadd.s32 $0xFFFFFFFF  }
0xa6: {  	s26 =	simm.s32 $execute0_lowered;
	[smem:$0x3FD2] =	sst s25  }
0xa7: {  	s6 =	sshll.u32 s26, $0x1;
	_ =	strace $0x80000046;
	[dreg:$0x1] =	wrdreg $0xFFFFFFFF  }
0xa8: {  	s28 =	simm.s32 $_size_execute0_lowered;
	s4 =	sadd.s32 s4, s6;
	[dreg:$0x0] =	wrdreg $0x0  }
0xa9: {  	s6 =	sshll.u32 s28, $0x1;
	[dreg:$0x2] =	wrdreg s4  }
0xaa: {  	[dreg:$0x3] =	wrdreg s6  }
0xab: {  	[dreg:$0x4] =	wrdreg $0xC0  }
0xac: {  	_ =	task [dreg:s8], $0x5FFFF  }
0xad: {  	[dreg:$0x1] =	wrdreg $0xFFFFFFFF  }
0xae: {  	[dreg:$0x0] =	wrdreg $0x60  }
0xaf: {  	[dreg:$0x2] =	wrdreg s2  }
0xb0: {  	[dreg:$0x3] =	wrdreg s24  }
0xb1: {  	[dreg:$0x4] =	wrdreg s18  }
0xb2: {  	[dreg:$0x5] =	wrdreg $0xA4000  }
0xb3: {  	[dreg:$0x6] =	wrdreg $0x9  }
0xb4: {  	_ =	task.clear_ibuf [dreg:s8], $0x7FFFF;
	_ =	strace $0x90000046  }
0xb5: {  	s29 =	simm.s32 $0x9;
	_ =	strace $0x80000048  }
0xb6: {  	_ =	swait.ge [sflag:s29], $0x1  }
0xb7: {  	[sflag:s29] =	ssyncadd.s32 $0xFFFFFFFF  }
0xb8: {  	_ =	strace $0x90000048  }
0xb9: {  	_ =	sfence  }
0xba: {  	s30 =	sld [smem:$0x0];
	_ =	sdelay $0x2  }
0xbb: {  	s31 =	sshll.u32 s1, $0xD;
	s1 =	sshrl.u32 s1, $0x2  }
0xbc: {  	s3 =	sand.u32 $0x4000, s31;
	s1 =	sadd.s32 s1, s30  }
0xbd: {  	s0 =	sor.u32 s3, s0;
	s1 =	sshll.u32 s1, $0x11  }
0xbe: {  	s0 =	sor.u32 s1, s0  }
0xbf: {  	s0 =	sadd.s32 $0x8F2B, s0  }
0xc0: {  	[sflag:s0] =	ssyncadd.remote.s32 $0x1  }
0xc1: {  	_ =	sfence.sel $0xFFFF  }
0xc2: {  	[dreg:$0x0] =	wrdreg $0xFFFFFFFF;
	(pc) =	sbr.abs _section_cstart, $3  }
0xc3: {  	[dreg:$0x1] =	wrdreg $0xFFFFFFFF  }
0xc4: {  	_ =	task.clear_ibuf [dreg:s8], $0x2FFFF;
	_ =	strace $0x9FFFFFFF  }
0xc5: {  	(tm) =	ssettm $0x7FFFFFFF  }
tec
execute0_lowered:
.L_overlay_start_1:
0x0: {  	(tag) =	ssettag $0x1  }
0x1: {  	s1 =	rddreg [dreg:$0x0]  }
0x2: {  	s4 =	rddreg [dreg:$0x1]  }
0x3: {  	s0 =	srdreg.scid;
	s25 =	rddreg [dreg:$0x2]  }
0x4: {  	s2 =	stileid.u32;
	s5 =	rddreg [dreg:$0x3]  }
0x5: {  	s6 =	simm.s32 $0x0;
	s31 =	simm.s32 $0x6;
	s8 =	smul.u32 $0x4E20, s2  }
0x6: {  	s30 =	simm.s32 $0x4;
	s29 =	simm.s32 $0x180;
	s11 =	smul.u32 $0x280, s2  }
0x7: {  	s0 =	sand.u32 $0x1, s0;
	s3 =	sshll.u32 s2, $0x1;
	s12 =	smul.u32 $0x2800, s2  }
0x8: {  	[smem:$0x7FF] =	sst s6;
	s7 =	smul.u32 $0x28000, s0;
	s3 =	sor.u32 s0, s3  }
0x9: {  	_ =	strace $0x80000047;
	s9 =	ssub.s32 $0x2, s0;
	s10 =	smul.u32 $0x2710, s0  }
0xa: {  	s3 =	smul.u32 $0x2710, s3;
	s19 =	sshrl.u32 s9, $0x1;
	s17 =	sadd.s32 $0xF0, s11  }
0xb: {  	s7 =	sadd.s32 s7, s4;
	s0 =	ssub.s32 s9, s19;
	s19 =	simm.s32 $0xA8  }
0xc: {  	s9 =	sshrl.u32 s3, $0x3;
	s3 =	sadd.s32 s10, s8;
	s10 =	sadd.s32 $0x9E00, s7  }
0xd: {  	s7 =	sor.u32 $0x50, s11;
	[dreg:$0xb] =	wrdreg s19;
	s0 =	smax.u32 s0, $0x1  }
0xe: {  	s8 =	sadd.s32 $0x190, s3;
	s13 =	sshll.u32 s7, $0x4;
	s16 =	sadd.s32 $0xF0, s3  }
0xf: {  	s22 =	sadd.s32 $0xA0, s3;
	s12 =	sadd.s32 s12, s10;
	s7 =	sshll.u32 s7, $0x7  }
0x10: {  	[smem:$0x7F6] =	sst s0;
	s14 =	sshrl.u32 s8, $0x3;
	s8 =	sadd.s32 $0xA0, s11  }
0x11: {  	s24 =	sshrl.u32 s22, $0x3;
	s22 =	simm.s32 $0x5400;
	[dreg:$0x13] =	wrdreg s12  }
0x12: {  	s20 =	sshrl.u32 s16, $0x3;
	s15 =	sadd.s32 s14, s25;
	[dreg:$0xe] =	wrdreg s22  }
0x13: {  	s7 =	sadd.s32 s7, s5;
	s14 =	sadd.s32 s14, s4;
	[dreg:$0x5] =	wrdreg s15  }
0x14: {  	s12 =	sshll.u32 s17, $0x7;
	s21 =	sadd.s32 s20, s25;
	[dreg:$0x6] =	wrdreg s14  }
0x15: {  	s23 =	sadd.s32 s20, s4;
	s16 =	sshll.u32 s8, $0x4;
	[dreg:$0x7] =	wrdreg s21  }
0x16: {  	s26 =	sadd.s32 s24, s25;
	s18 =	sadd.s32 s24, s4;
	[dreg:$0x8] =	wrdreg s23  }
0x17: {  	s20 =	simm.s32 $0x4000;
	s22 =	sadd.s32 $0x1E0, s11;
	[dreg:$0x9] =	wrdreg s26  }
0x18: {  	s24 =	simm.s32 $0x6800;
	s8 =	sshll.u32 s8, $0x7;
	[dreg:$0xa] =	wrdreg s18  }
0x19: {  	s15 =	sshll.u32 s17, $0x4;
	s18 =	sadd.s32 $0x140, s11;
	[dreg:$0xc] =	wrdreg s20  }
0x1a: {  	s21 =	simm.s32 $0x300;
	s20 =	sadd.s32 $0x190, s11;
	[dreg:$0x10] =	wrdreg s24  }
0x1b: {  	s23 =	simm.s32 $0x128;
	s26 =	simm.s32 $0x1A8;
	[dreg:$0xd] =	wrdreg s21  }
0x1c: {  	s11 =	sadd.s32 $0x230, s11;
	s24 =	simm.s32 $0x9000;
	[dreg:$0xf] =	wrdreg s23  }
0x1d: {  	s17 =	sshll.u32 s22, $0x7;
	s19 =	sshll.u32 s18, $0x4;
	[dreg:$0x11] =	wrdreg s26  }
0x1e: {  	s21 =	sshll.u32 s20, $0x4;
	[dreg:$0x12] =	wrdreg s24;
	s26 =	sadd.s32 s13, s10  }
0x1f: {  	s23 =	sshll.u32 s22, $0x4;
	s13 =	sadd.s32 s16, s10;
	[dreg:$0x14] =	wrdreg s26  }
0x20: {  	s14 =	sshll.u32 s11, $0x4;
	s16 =	sadd.s32 s15, s10;
	[dreg:$0x15] =	wrdreg s13  }
0x21: {  	s15 =	sadd.s32 s4, s9;
	s22 =	sshrl.u32 s7, $0x3;
	[dreg:$0x16] =	wrdreg s16  }
0x22: {  	s7 =	simm.s32 $0x200;
	s24 =	sadd.s32 s19, s10;
	[dreg:$0x1b] =	wrdreg s15  }
0x23: {  	s26 =	sadd.s32 s21, s10;
	s13 =	sadd.s32 s23, s10;
	[smem:$0x7F8] =	sst s22  }
0x24: {  	s10 =	sadd.s32 s14, s10;
	s16 =	sadd.s32 s25, s9;
	[dreg:$0x17] =	wrdreg s24  }
0x25: {  	s19 =	sadd.s32 $0xA, s9;
	s9 =	sadd.s32 $0x4D8, s9;
	[dreg:$0x18] =	wrdreg s26  }
0x26: {  	s21 =	smul.u32 $0x50000, s2;
	s14 =	sshll.u32 s18, $0x7;
	[dreg:$0x19] =	wrdreg s13  }
0x27: {  	s15 =	sshll.u32 s20, $0x7;
	s18 =	sshll.u32 s11, $0x7;
	[dreg:$0x1a] =	wrdreg s10  }
0x28: {  	s2 =	simm.s32 $0x280;
	[dreg:$0x1c] =	wrdreg s16;
	s23 =	sadd.s32 s4, s19  }
0x29: {  	s11 =	simm.s32 $0xD;
	s24 =	sadd.s32 s25, s19;
	[dreg:$0x1d] =	wrdreg s23  }
0x2a: {  	s22 =	simm.s32 $0x8;
	s26 =	sadd.s32 s4, s9;
	[dreg:$0x1e] =	wrdreg s24  }
0x2b: {  	s9 =	sadd.s32 s25, s9;
	s28 =	sadd.s32 s14, s5;
	[dreg:$0x1f] =	wrdreg s26  }
0x2c: {  	s16 =	sadd.s32 s15, s5;
	s19 =	sadd.s32 s17, s5;
	[smem:$0x7F2] =	sst s9  }
0x2d: {  	s20 =	sadd.s32 s18, s5;
	s14 =	simm.s32 $0x2;
	[smem:$0x7F3] =	sst s16  }
0x2e: {  	s17 =	simm.s32 $0x5;
	s18 =	simm.s32 $0x50;
	[smem:$0x7F4] =	sst s19  }
0x2f: {  	s10 =	sshrl.u32 s21, $0x2;
	s23 =	sadd.s32 s8, s5;
	[smem:$0x7F5] =	sst s20  }
0x30: {  	s26 =	sadd.s32 s12, s5;
	s21 =	sadd.s32 $0x140, s3;
	[smem:$0x7FD] =	sst s28  }
0x31: {  	s8 =	simm.s32 $0x80;
	s9 =	simm.s32 $0x400;
	[smem:$0x7F7] =	sst s21  }
0x32: {  	s12 =	simm.s32 $0x7C00;
	s19 =	simm.s32 $0x3;
	[smem:$0x7FB] =	sst s23  }
0x33: {  	s3 =	simm.s32 $0x9;
	s13 =	sadd.s32 s10, s5;
	[smem:$0x7FC] =	sst s26  }
0x34: {  	s20 =	simm.s32 $0x200;
	s24 =	sadd.s32 $0x2800, s13;
	[smem:$0x7FA] =	sst s13  }
0x35: {  	v0 =	vimm.f32 $0.0e+00;
	s10 =	simm.s32 $0x28;
	s21 =	simm.s32 $0x0;
	[smem:$0x7F9] =	sst s24  }
.LBB2_1:
0x36: {  	[smem:$0x7F1] =	sst s21  }
0x37: {  	s0 =	rddreg [dreg:$0x1b]  }
0x38: {  	[tilespmem:s6], [sflag:$0x1] =	stream.linear.gather [hbm4b:s0+s6], $0x50, $0x38;
	[tilespmem:$0x1E400] =	vst v63  }
0x39: {  	s24 =	rddreg [dreg:$0x1c]  }
0x3a: {  	[tilespmem:s7], [sflag:$0x1] =	stream.linear.gather [hbm4b:s24+s6], $0x50, $0x38;
	[tilespmem:$0x1E400] =	vst v63  }
0x3b: {  	s15 =	rddreg [dreg:$0x1d]  }
0x3c: {  	[tilespmem:s8], [sflag:$0x2] =	stream.linear.gather [hbm4b:s15+s6], $0x50, $0x38;
	[tilespmem:$0x1E400] =	vst v63  }
0x3d: {  	s16 =	rddreg [dreg:$0x1e];
	s21 =	simm.s32 $0x1  }
0x3e: {  	[tilespmem:s2], [sflag:$0x2] =	stream.linear.gather [hbm4b:s16+s6], $0x50, $0x38;
	[tilespmem:$0x1E400] =	vst v63  }
0x3f: {  	_ =	swait.ge [sflag:s21], $0x50  }
0x40: {  	[sflag:s21] =	ssyncset.done $0x0  }
0x41: {  	[sflag:s21] =	ssyncadd.s32 $0xFFFFFFB0  }
0x42: {  	_ =	swait.ge [sflag:s21], $0x50  }
0x43: {  	[sflag:s21] =	ssyncset.done $0x0  }
0x44: {  	[sflag:s21] =	ssyncadd.s32 $0xFFFFFFB0  }
0x45: {  	[tilespmem:s9], [sflag:$0x5] =	stream.indirect.gather [hbm4b:s1+s10], $0x80, s6, s10, $0xb8;
	[tilespmem:$0x1E400] =	vst v63  }
0x46: {  	s24 =	simm.s32 $0x1800;
	s15 =	simm.s32 $0x2C00  }
0x47: {  	[tilespmem:s24], [sflag:$0x5] =	stream.indirect.gather [hbm4b:s1+s10], $0x80, s10, s10, $0xb8;
	[tilespmem:$0x1E400] =	vst v63  }
0x48: {  	s16 =	simm.s32 $0x100;
	s21 =	simm.s32 $0x0;
	s24 =	simm.s32 $0x200  }
.LBB2_2:
0x49: {  	p0 =	seq.s32 s24, $0x9E00;
	[tilespmem:s21+$0x7C70] =	vst v0  }
0x4a: {  	[tilespmem:s21+$0x7C00] =	vst v0  }
0x4b: {  	[tilespmem:s21+$0x7C10] =	vst v0  }
.Ltmp0:
0x4c: {  	[tilespmem:s21+$0x7C20] =	vst v0;
	(pc) =	sbr.rel @!p0 .LBB2_2-.Ltmp0, $4  }
0x4d: {  	[tilespmem:s21+$0x7C30] =	vst v0  }
0x4e: {  	[tilespmem:s21+$0x7C40] =	vst v0  }
0x4f: {  	[tilespmem:s21+$0x7C50] =	vst v0  }
0x50: {  	[tilespmem:s21+$0x7C60] =	vst v0;
	s21 =	sshra.s32 s24, $0x2;
	s24 =	sadd.s32 $0x200, s24  }
0x51: {  	[tilespmem:s21+$0x7C70] =	vst v0  }
0x52: {  	[tilespmem:s21+$0x7C00] =	vst v0  }
0x53: {  	[tilespmem:s21+$0x7C10] =	vst v0  }
0x54: {  	[tilespmem:s21+$0x7C20] =	vst v0  }
0x55: {  	[tilespmem:s21+$0x7C30] =	vst v0  }
0x56: {  	[tilespmem:s21+$0x7C40] =	vst v0  }
0x57: {  	[tilespmem:s21+$0x7C50] =	vst v0  }
0x58: {  	[tilespmem:s21+$0x7C60] =	vst v0  }
0x59: {  	[spmem:s13] =	stream.linear.scatter [tilespmem:s12], [sflag:$0xD], $0x2800, $0x38;
	[tilespmem:$0x1E400] =	vst v63  }
0x5a: {  	_ =	swait.ge [sflag:s11], $0x2800  }
0x5b: {  	s2 =	sld [smem:$0x7F9]  }
0x5c: {  	[sflag:s11] =	ssyncset.done $0x0  }
0x5d: {  	[sflag:s11] =	ssyncadd.s32 $0xFFFFD800  }
0x5e: {  	[spmem:s2] =	stream.linear.scatter [tilespmem:s12], [sflag:$0xD], $0x2800, $0x38;
	[tilespmem:$0x1E400] =	vst v63  }
0x5f: {  	_ =	swait.ge [sflag:s11], $0x2800  }
0x60: {  	[sflag:s11] =	ssyncset.done $0x0  }
0x61: {  	[sflag:s11] =	ssyncadd.s32 $0xFFFFD800  }
0x62: {  	[spmem:s23] =	stream.linear.scatter [tilespmem:s12], [sflag:$0xD], $0x2800, $0x38;
	[tilespmem:$0x1E400] =	vst v63  }
0x63: {  	_ =	swait.ge [sflag:s11], $0x2800  }
0x64: {  	[sflag:s11] =	ssyncset.done $0x0  }
0x65: {  	[sflag:s11] =	ssyncadd.s32 $0xFFFFD800  }
0x66: {  	[spmem:s26] =	stream.linear.scatter [tilespmem:s12], [sflag:$0xD], $0x2800, $0x38;
	[tilespmem:$0x1E400] =	vst v63  }
0x67: {  	_ =	swait.ge [sflag:s11], $0x2800  }
0x68: {  	[sflag:s11] =	ssyncset.done $0x0  }
0x69: {  	[sflag:s11] =	ssyncadd.s32 $0xFFFFD800  }
0x6a: {  	[spmem:s28] =	stream.linear.scatter [tilespmem:s12], [sflag:$0xD], $0x2800, $0x38;
	[tilespmem:$0x1E400] =	vst v63  }
0x6b: {  	_ =	swait.ge [sflag:s11], $0x2800  }
0x6c: {  	s24 =	sld [smem:$0x7F3]  }
0x6d: {  	[sflag:s11] =	ssyncset.done $0x0  }
0x6e: {  	[sflag:s11] =	ssyncadd.s32 $0xFFFFD800  }
0x6f: {  	[spmem:s24] =	stream.linear.scatter [tilespmem:s12], [sflag:$0xD], $0x2800, $0x38;
	[tilespmem:$0x1E400] =	vst v63  }
0x70: {  	_ =	swait.ge [sflag:s11], $0x2800  }
0x71: {  	s26 =	sld [smem:$0x7F4]  }
0x72: {  	[sflag:s11] =	ssyncset.done $0x0  }
0x73: {  	[sflag:s11] =	ssyncadd.s32 $0xFFFFD800  }
0x74: {  	[spmem:s26] =	stream.linear.scatter [tilespmem:s12], [sflag:$0xD], $0x2800, $0x38;
	[tilespmem:$0x1E400] =	vst v63  }
0x75: {  	_ =	swait.ge [sflag:s11], $0x2800  }
0x76: {  	s0 =	sld [smem:$0x7F5]  }
0x77: {  	[sflag:s11] =	ssyncset.done $0x0  }
0x78: {  	[sflag:s11] =	ssyncadd.s32 $0xFFFFD800  }
0x79: {  	[spmem:s0] =	stream.linear.scatter [tilespmem:s12], [sflag:$0xD], $0x2800, $0x38;
	[tilespmem:$0x1E400] =	vst v63  }
0x7a: {  	_ =	swait.ge [sflag:s11], $0x2800  }
0x7b: {  	[sflag:s11] =	ssyncset.done $0x0  }
0x7c: {  	p0 =	por $0x1, $0x1;
	[sflag:s11] =	ssyncadd.s32 $0xFFFFD800  }
0x7d: {  	s21 =	simm.s32 @!p0 $0xB;
	[bflag:$0x0] =	sbarrier.arrive $0xFFFF  }
0x7e: {  	_ =	swait.ge @!p0 [sflag:s21], $0x2800  }
0x7f: {  	[sflag:s21] =	ssyncset.done @!p0 $0x0  }
0x80: {  	[sflag:s21] =	ssyncadd.s32 @!p0 $0xFFFFD800  }
0x81: {  	_ =	swait.ge [sflag:s14], $0x50  }
0x82: {  	[sflag:s14] =	ssyncset.done $0x0  }
0x83: {  	[sflag:s14] =	ssyncadd.s32 $0xFFFFFFB0  }
0x84: {  	_ =	swait.ge [sflag:s14], $0x50  }
0x85: {  	[sflag:s14] =	ssyncset.done $0x0;
	s2 =	rddreg [dreg:$0xc]  }
0x86: {  	s11 =	rddreg [dreg:$0xb];
	[sflag:s14] =	ssyncadd.s32 $0xFFFFFFB0  }
0x87: {  	[tilespmem:s15], [sflag:$0x6] =	stream.indirect.gather [hbm4b:s1+s10], $0x80, s8, s10, $0xb8;
	[tilespmem:$0x1E400] =	vst v63  }
0x88: {  	s12 =	rddreg [dreg:$0xa]  }
0x89: {  	[tilespmem:s2], [sflag:$0x6] =	stream.indirect.gather [hbm4b:s1+s10], $0x80, s11, s10, $0xb8;
	[tilespmem:$0x1E400] =	vst v63  }
0x8a: {  	s13 =	rddreg [dreg:$0x9];
	s15 =	sadd.s32 $0x0, s12  }
0x8b: {  	[tilespmem:s16], [sflag:$0x3] =	stream.linear.gather [hbm4b:s15+s6], $0x50, $0x38;
	[tilespmem:$0x1E400] =	vst v63  }
0x8c: {  	s23 =	rddreg [dreg:$0xd];
	s21 =	sadd.s32 $0x0, s13  }
0x8d: {  	[tilespmem:s23], [sflag:$0x3] =	stream.linear.gather [hbm4b:s21+s6], $0x50, $0x38;
	[tilespmem:$0x1E400] =	vst v63  }
0x8e: {  	_ =	swait.ge [sflag:s17], $0x1400  }
0x8f: {  	[sflag:s17] =	ssyncset.done $0x0  }
0x90: {  	[sflag:s17] =	ssyncadd.s32 $0xFFFFEC00  }
0x91: {  	_ =	swait.ge [sflag:s17], $0x1400  }
0x92: {  	[sflag:s17] =	ssyncset.done $0x0  }
0x93: {  	s21 =	simm.s32 @!p0 $0xC;
	[sflag:s17] =	ssyncadd.s32 $0xFFFFEC00  }
0x94: {  	[spmem:s5] =	stream.indirect.scatter.add.f32 [tilespmem:s9], [sflag:$0x9], $0x80, s7, s18, $0xb8;
	[tilespmem:$0x1E400] =	vst v63  }
0x95: {  	_ =	swait.ge @!p0 [sflag:s21], $0x2800  }
0x96: {  	[sflag:s21] =	ssyncset.done @!p0 $0x0  }
0x97: {  	[sflag:s21] =	ssyncadd.s32 @!p0 $0xFFFFD800  }
0x98: {  	_ =	swait.ge [sflag:s19], $0x50  }
0x99: {  	s24 =	simm.s32 $0x0;
	s0 =	smov.u32 s25;
	[sflag:s19] =	ssyncset.done $0x0  }
0x9a: {  	s8 =	simm.s32 $0x100;
	s12 =	simm.s32 $0x380;
	[sflag:s19] =	ssyncadd.s32 $0xFFFFFFB0  }
0x9b: {  	s11 =	simm.s32 $0x80;
	s16 =	simm.s32 $0x2C00;
	_ =	swait.ge [sflag:s19], $0x50  }
0x9c: {  	s15 =	simm.s32 $0x7C00;
	s7 =	smov.u32 s4;
	s28 =	rddreg [dreg:$0x10]  }
0x9d: {  	s21 =	simm.s32 $0x28;
	[sflag:s19] =	ssyncset.done $0x0;
	s25 =	sld [smem:$0x7F7]  }
.LBB2_4:
0x9e: {  	s9 =	rddreg [dreg:$0xe]  }
0x9f: {  	[sflag:s19] =	ssyncadd.s32 $0xFFFFFFB0;
	s23 =	rddreg [dreg:$0xf]  }
0xa0: {  	[tilespmem:s9], [sflag:$0x7] =	stream.indirect.gather [hbm4b:s1+s10], $0x80, s8, s10, $0xb8;
	[tilespmem:$0x1E400] =	vst v63  }
0xa1: {  	s13 =	rddreg [dreg:$0x8]  }
0xa2: {  	[tilespmem:s28], [sflag:$0x7] =	stream.indirect.gather [hbm4b:s1+s10], $0x80, s23, s10, $0xb8;
	[tilespmem:$0x1E400] =	vst v63  }
0xa3: {  	s4 =	rddreg [dreg:$0x7];
	s13 =	sadd.s32 s24, s13  }
0xa4: {  	[tilespmem:s29], [sflag:$0x4] =	stream.linear.gather [hbm4b:s13+s6], $0x50, $0x38;
	[tilespmem:$0x1E400] =	vst v63  }
0xa5: {  	s9 =	sadd.s32 s24, s4  }
0xa6: {  	[tilespmem:s12], [sflag:$0x4] =	stream.linear.gather [hbm4b:s9+s6], $0x50, $0x38;
	[tilespmem:$0x1E400] =	vst v63  }
0xa7: {  	_ =	swait.ge [sflag:s31], $0x1400  }
0xa8: {  	[sflag:s31] =	ssyncset.done $0x0  }
0xa9: {  	[sflag:s31] =	ssyncadd.s32 $0xFFFFEC00  }
0xaa: {  	_ =	swait.ge [sflag:s31], $0x1400  }
0xab: {  	[sflag:s31] =	ssyncset.done $0x0  }
0xac: {  	s2 =	simm.s32 $0x280;
	[sflag:s31] =	ssyncadd.s32 $0xFFFFEC00  }
0xad: {  	[spmem:s5] =	stream.indirect.scatter.add.f32 [tilespmem:s16], [sflag:$0xA], $0x80, s2, s18, $0xb8;
	[tilespmem:$0x1E400] =	vst v63  }
0xae: {  	_ =	swait.ge [sflag:s3], $0x2800  }
0xaf: {  	[sflag:s3] =	ssyncset.done $0x0  }
0xb0: {  	[sflag:s3] =	ssyncadd.s32 $0xFFFFD800  }
0xb1: {  	_ =	swait.ge [sflag:s30], $0x50  }
0xb2: {  	[sflag:s30] =	ssyncset.done $0x0  }
0xb3: {  	[sflag:s30] =	ssyncadd.s32 $0xFFFFFFB0  }
0xb4: {  	_ =	swait.ge [sflag:s30], $0x50  }
0xb5: {  	[sflag:s30] =	ssyncset.done $0x0  }
0xb6: {  	p1 =	seq.s32 s24, $0x4B0;
	s2 =	rddreg [dreg:$0x12];
	[sflag:s30] =	ssyncadd.s32 $0xFFFFFFB0  }
0xb7: {  	[tilespmem:s15], [sflag:$0x8] =	stream.indirect.gather [hbm4b:s1+s10], $0x80, s29, s10, $0xb8;
	[tilespmem:$0x1E400] =	vst v63  }
0xb8: {  	s23 =	simm.s32 @p1 $0x7;
	s4 =	rddreg [dreg:$0x11]  }
0xb9: {  	[tilespmem:s2], [sflag:$0x8] =	stream.indirect.gather [hbm4b:s1+s10], $0x80, s4, s10, $0xb8;
	[tilespmem:$0x1E400] =	vst v63  }
0xba: {  	_ =	swait.ge @p1 [sflag:s23], $0x1400  }
0xbb: {  	[sflag:s23] =	ssyncset.done @p1 $0x0  }
0xbc: {  	s28 =	sshrl.u32 @!p1 s25, $0x3;
	[sflag:s23] =	ssyncadd.s32 @p1 $0xFFFFEC00  }
0xbd: {  	s13 =	sadd.s32 @!p1 s0, s28;
	s9 =	sadd.s32 @!p1 s7, s28;
	_ =	swait.ge @p1 [sflag:s23], $0x1400  }
0xbe: {  	s28 =	simm.s32 @p1 $0x5400;
	s2 =	simm.s32 @p1 $0x50;
	[sflag:s23] =	ssyncset.done @p1 $0x0  }
0xbf: {  	s4 =	simm.s32 @p1 $0x300;
	[sflag:s23] =	ssyncadd.s32 @p1 $0xFFFFEC00;
	s23 =	simm.s32 @p1 $0xA  }
0xc0: {  	[spmem:s5] =	stream.indirect.scatter.add.f32 @p1 [tilespmem:s28], [sflag:$0xB], $0x80, s4, s2, $0xb8;
	[tilespmem:$0x1E400] =	vst v63  }
0xc1: {  	_ =	swait.ge @p1 [sflag:s23], $0x2800  }
0xc2: {  	[sflag:s23] =	ssyncset.done @p1 $0x0  }
0xc3: {  	s28 =	simm.s32 @!p1 $0x0;
	[sflag:s23] =	ssyncadd.s32 @p1 $0xFFFFD800  }
0xc4: {  	[tilespmem:s28], [sflag:$0x1] =	stream.linear.gather @!p1 [hbm4b:s9+s28], $0x50, $0x38;
	[tilespmem:$0x1E400] =	vst v63  }
0xc5: {  	s2 =	simm.s32 @!p1 $0x200;
	s4 =	simm.s32 @!p1 $0x7  }
0xc6: {  	[tilespmem:s2], [sflag:$0x1] =	stream.linear.gather @!p1 [hbm4b:s13+s28], $0x50, $0x38;
	[tilespmem:$0x1E400] =	vst v63  }
0xc7: {  	_ =	swait.ge @!p1 [sflag:s4], $0x1400  }
0xc8: {  	[sflag:s4] =	ssyncset.done @!p1 $0x0  }
0xc9: {  	[sflag:s4] =	ssyncadd.s32 @!p1 $0xFFFFEC00  }
0xca: {  	_ =	swait.ge @!p1 [sflag:s4], $0x1400  }
0xcb: {  	s9 =	simm.s32 @!p1 $0x50;
	s2 =	simm.s32 @!p1 $0x5400;
	[sflag:s4] =	ssyncset.done @!p1 $0x0  }
0xcc: {  	s13 =	simm.s32 @!p1 $0x300;
	[sflag:s4] =	ssyncadd.s32 @!p1 $0xFFFFEC00;
	s4 =	simm.s32 @!p1 $0xA  }
0xcd: {  	[spmem:s5] =	stream.indirect.scatter.add.f32 @!p1 [tilespmem:s2], [sflag:$0xB], $0x80, s13, s9, $0xb8;
	[tilespmem:$0x1E400] =	vst v63  }
0xce: {  	_ =	swait.ge @!p1 [sflag:s4], $0x2800  }
0xcf: {  	[sflag:s4] =	ssyncset.done @!p1 $0x0  }
0xd0: {  	s2 =	simm.s32 @!p1 $0x1;
	[sflag:s4] =	ssyncadd.s32 @!p1 $0xFFFFD800  }
0xd1: {  	_ =	swait.ge @!p1 [sflag:s2], $0x50  }
0xd2: {  	[sflag:s2] =	ssyncset.done @!p1 $0x0  }
0xd3: {  	[sflag:s2] =	ssyncadd.s32 @!p1 $0xFFFFFFB0  }
0xd4: {  	_ =	swait.ge @!p1 [sflag:s2], $0x50  }
0xd5: {  	[sflag:s2] =	ssyncset.done @!p1 $0x0  }
0xd6: {  	s4 =	simm.s32 @!p1 $0x400;
	[sflag:s2] =	ssyncadd.s32 @!p1 $0xFFFFFFB0;
	s2 =	simm.s32 @!p1 $0x28  }
0xd7: {  	[tilespmem:s4], [sflag:$0x5] =	stream.indirect.gather @!p1 [hbm4b:s1+s2], $0x80, s28, s2, $0xb8;
	[tilespmem:$0x1E400] =	vst v63  }
0xd8: {  	s9 =	rddreg [dreg:$0x6];
	s4 =	simm.s32 @!p1 $0x1800  }
0xd9: {  	[tilespmem:s4], [sflag:$0x5] =	stream.indirect.gather @!p1 [hbm4b:s1+s2], $0x80, s2, s2, $0xb8;
	[tilespmem:$0x1E400] =	vst v63  }
0xda: {  	s13 =	rddreg [dreg:$0x5];
	s2 =	sadd.s32 @!p1 s24, s9;
	s4 =	simm.s32 @!p1 $0x80  }
0xdb: {  	[tilespmem:s4], [sflag:$0x2] =	stream.linear.gather @!p1 [hbm4b:s2+s28], $0x50, $0x38;
	[tilespmem:$0x1E400] =	vst v63  }
0xdc: {  	s9 =	simm.s32 @!p1 $0x280;
	s2 =	sadd.s32 @!p1 s24, s13  }
0xdd: {  	[tilespmem:s9], [sflag:$0x2] =	stream.linear.gather @!p1 [hbm4b:s2+s28], $0x50, $0x38;
	[tilespmem:$0x1E400] =	vst v63  }
0xde: {  	_ =	swait.ge [sflag:s22], $0x1400  }
0xdf: {  	[sflag:s22] =	ssyncset.done $0x0  }
0xe0: {  	[sflag:s22] =	ssyncadd.s32 $0xFFFFEC00  }
0xe1: {  	s26 =	smov.u32 s21;
	_ =	swait.ge [sflag:s22], $0x1400  }
0xe2: {  	p2 =	seq.s32 s26, $0x0;
	[sflag:s22] =	ssyncset.done $0x0  }
0xe3: {  	s2 =	simm.s32 @!p2 $0xB;
	[sflag:s22] =	ssyncadd.s32 $0xFFFFEC00  }
0xe4: {  	[spmem:s5] =	stream.indirect.scatter.add.f32 [tilespmem:s15], [sflag:$0xC], $0x80, s12, s18, $0xb8;
	[tilespmem:$0x1E400] =	vst v63  }
0xe5: {  	_ =	swait.ge @!p2 [sflag:s2], $0x2800  }
0xe6: {  	[sflag:s2] =	ssyncset.done @!p2 $0x0  }
0xe7: {  	[sflag:s2] =	ssyncadd.s32 @!p2 $0xFFFFD800  }
0xe8: {  	_ =	swait.ge [sflag:s14], $0x50  }
0xe9: {  	[sflag:s14] =	ssyncset.done $0x0  }
0xea: {  	[sflag:s14] =	ssyncadd.s32 $0xFFFFFFB0  }
0xeb: {  	_ =	swait.ge [sflag:s14], $0x50  }
0xec: {  	[sflag:s14] =	ssyncset.done $0x0;
	s9 =	rddreg [dreg:$0xc]  }
0xed: {  	s13 =	rddreg [dreg:$0xb];
	[sflag:s14] =	ssyncadd.s32 $0xFFFFFFB0  }
0xee: {  	[tilespmem:s16], [sflag:$0x6] =	stream.indirect.gather [hbm4b:s1+s10], $0x80, s11, s10, $0xb8;
	[tilespmem:$0x1E400] =	vst v63  }
0xef: {  	s24 =	smov.u32 s26;
	s23 =	rddreg [dreg:$0xa]  }
0xf0: {  	[tilespmem:s9], [sflag:$0x6] =	stream.indirect.gather [hbm4b:s1+s10], $0x80, s13, s10, $0xb8;
	[tilespmem:$0x1E400] =	vst v63  }
0xf1: {  	s26 =	rddreg [dreg:$0x9];
	s13 =	sadd.s32 s24, s23  }
0xf2: {  	[tilespmem:s8], [sflag:$0x3] =	stream.linear.gather [hbm4b:s13+s6], $0x50, $0x38;
	[tilespmem:$0x1E400] =	vst v63  }
0xf3: {  	s2 =	sadd.s32 s24, s26;
	s23 =	rddreg [dreg:$0xd]  }
0xf4: {  	[tilespmem:s23], [sflag:$0x3] =	stream.linear.gather [hbm4b:s2+s6], $0x50, $0x38;
	[tilespmem:$0x1E400] =	vst v63  }
0xf5: {  	_ =	swait.ge [sflag:s17], $0x1400  }
0xf6: {  	[sflag:s17] =	ssyncset.done $0x0  }
0xf7: {  	[sflag:s17] =	ssyncadd.s32 $0xFFFFEC00  }
0xf8: {  	_ =	swait.ge [sflag:s17], $0x1400  }
0xf9: {  	[sflag:s17] =	ssyncset.done $0x0  }
0xfa: {  	s26 =	simm.s32 $0x400;
	s2 =	simm.s32 @!p2 $0xC;
	[sflag:s17] =	ssyncadd.s32 $0xFFFFEC00  }
0xfb: {  	[spmem:s5] =	stream.indirect.scatter.add.f32 [tilespmem:s26], [sflag:$0x9], $0x80, s20, s18, $0xb8;
	[tilespmem:$0x1E400] =	vst v63  }
0xfc: {  	_ =	swait.ge @!p2 [sflag:s2], $0x2800  }
0xfd: {  	s21 =	sadd.s32 $0x28, s21;
	[sflag:s2] =	ssyncset.done @!p2 $0x0  }
0xfe: {  	p0 =	sne.s32 s21, $0x4D8;
	[sflag:s2] =	ssyncadd.s32 @!p2 $0xFFFFD800  }
.Ltmp1:
0xff: {  	_ =	swait.ge [sflag:s19], $0x50;
	(pc) =	sbr.rel @p0 .LBB2_4-.Ltmp1, $4  }
0x100: {  	[sflag:s19] =	ssyncset.done $0x0  }
0x101: {  	[sflag:s19] =	ssyncadd.s32 $0xFFFFFFB0  }
0x102: {  	_ =	swait.ge [sflag:s19], $0x50  }
0x103: {  	s25 =	sadd.s32 $0x140, s25;
	[sflag:s19] =	ssyncset.done $0x0;
	s28 =	rddreg [dreg:$0x10]  }
0x104: {  	s2 =	rddreg [dreg:$0xe]  }
0x105: {  	[sflag:s19] =	ssyncadd.s32 $0xFFFFFFB0;
	s4 =	rddreg [dreg:$0xf]  }
0x106: {  	[tilespmem:s2], [sflag:$0x7] =	stream.indirect.gather [hbm4b:s1+s10], $0x80, s8, s10, $0xb8;
	[tilespmem:$0x1E400] =	vst v63  }
0x107: {  	s26 =	rddreg [dreg:$0x8]  }
0x108: {  	[tilespmem:s28], [sflag:$0x7] =	stream.indirect.gather [hbm4b:s1+s10], $0x80, s4, s10, $0xb8;
	[tilespmem:$0x1E400] =	vst v63  }
0x109: {  	s8 =	rddreg [dreg:$0x7];
	s2 =	sadd.s32 s24, s26  }
0x10a: {  	[tilespmem:s29], [sflag:$0x4] =	stream.linear.gather [hbm4b:s2+s6], $0x50, $0x38;
	[tilespmem:$0x1E400] =	vst v63  }
0x10b: {  	s9 =	sadd.s32 s24, s8  }
0x10c: {  	[tilespmem:s12], [sflag:$0x4] =	stream.linear.gather [hbm4b:s9+s6], $0x50, $0x38;
	[tilespmem:$0x1E400] =	vst v63  }
0x10d: {  	_ =	swait.ge [sflag:s31], $0x1400  }
0x10e: {  	[sflag:s31] =	ssyncset.done $0x0  }
0x10f: {  	[sflag:s31] =	ssyncadd.s32 $0xFFFFEC00  }
0x110: {  	_ =	swait.ge [sflag:s31], $0x1400  }
0x111: {  	[sflag:s31] =	ssyncset.done $0x0  }
0x112: {  	s11 =	simm.s32 $0x280;
	[sflag:s31] =	ssyncadd.s32 $0xFFFFEC00  }
0x113: {  	[spmem:s5] =	stream.indirect.scatter.add.f32 [tilespmem:s16], [sflag:$0xA], $0x80, s11, s18, $0xb8;
	[tilespmem:$0x1E400] =	vst v63  }
0x114: {  	_ =	swait.ge [sflag:s3], $0x2800  }
0x115: {  	[sflag:s3] =	ssyncset.done $0x0  }
0x116: {  	[sflag:s3] =	ssyncadd.s32 $0xFFFFD800  }
0x117: {  	_ =	swait.ge [sflag:s30], $0x50  }
0x118: {  	[sflag:s30] =	ssyncset.done $0x0  }
0x119: {  	[sflag:s30] =	ssyncadd.s32 $0xFFFFFFB0  }
0x11a: {  	_ =	swait.ge [sflag:s30], $0x50  }
0x11b: {  	[sflag:s30] =	ssyncset.done $0x0  }
0x11c: {  	p0 =	seq.s32 s24, $0x4B0;
	s13 =	rddreg [dreg:$0x12];
	[sflag:s30] =	ssyncadd.s32 $0xFFFFFFB0  }
0x11d: {  	[tilespmem:s15], [sflag:$0x8] =	stream.indirect.gather [hbm4b:s1+s10], $0x80, s29, s10, $0xb8;
	[tilespmem:$0x1E400] =	vst v63  }
0x11e: {  	s9 =	simm.s32 @p0 $0x7;
	s16 =	rddreg [dreg:$0x11]  }
0x11f: {  	[tilespmem:s13], [sflag:$0x8] =	stream.indirect.gather [hbm4b:s1+s10], $0x80, s16, s10, $0xb8;
	[tilespmem:$0x1E400] =	vst v63  }
0x120: {  	_ =	swait.ge @p0 [sflag:s9], $0x1400  }
0x121: {  	[sflag:s9] =	ssyncset.done @p0 $0x0  }
0x122: {  	[sflag:s9] =	ssyncadd.s32 @p0 $0xFFFFEC00  }
0x123: {  	_ =	swait.ge @p0 [sflag:s9], $0x1400  }
0x124: {  	s4 =	simm.s32 @p0 $0x50;
	[sflag:s9] =	ssyncset.done @p0 $0x0  }
0x125: {  	s2 =	simm.s32 @p0 $0x5400;
	[sflag:s9] =	ssyncadd.s32 @p0 $0xFFFFEC00;
	s9 =	simm.s32 @p0 $0x300  }
0x126: {  	[spmem:s5] =	stream.indirect.scatter.add.f32 @p0 [tilespmem:s2], [sflag:$0xB], $0x80, s9, s4, $0xb8;
	[tilespmem:$0x1E400] =	vst v63  }
0x127: {  	s2 =	simm.s32 @p0 $0xA  }
0x128: {  	_ =	swait.ge @p0 [sflag:s2], $0x2800  }
0x129: {  	s4 =	sshrl.u32 @!p0 s25, $0x3;
	[sflag:s2] =	ssyncset.done @p0 $0x0  }
0x12a: {  	s9 =	sadd.s32 @!p0 s7, s4;
	[sflag:s2] =	ssyncadd.s32 @p0 $0xFFFFD800;
	s2 =	simm.s32 @!p0 $0x0  }
0x12b: {  	[tilespmem:s2], [sflag:$0x1] =	stream.linear.gather @!p0 [hbm4b:s9+s2], $0x50, $0x38;
	[tilespmem:$0x1E400] =	vst v63  }
0x12c: {  	s13 =	simm.s32 @!p0 $0x7;
	s4 =	sadd.s32 @!p0 s0, s4;
	s9 =	simm.s32 @!p0 $0x200  }
0x12d: {  	[tilespmem:s9], [sflag:$0x1] =	stream.linear.gather @!p0 [hbm4b:s4+s2], $0x50, $0x38;
	[tilespmem:$0x1E400] =	vst v63  }
0x12e: {  	_ =	swait.ge @!p0 [sflag:s13], $0x1400  }
0x12f: {  	[sflag:s13] =	ssyncset.done @!p0 $0x0  }
0x130: {  	[sflag:s13] =	ssyncadd.s32 @!p0 $0xFFFFEC00  }
0x131: {  	_ =	swait.ge @!p0 [sflag:s13], $0x1400  }
0x132: {  	s4 =	simm.s32 @!p0 $0x5400;
	[sflag:s13] =	ssyncset.done @!p0 $0x0  }
0x133: {  	s9 =	simm.s32 @!p0 $0x50;
	[sflag:s13] =	ssyncadd.s32 @!p0 $0xFFFFEC00;
	s13 =	simm.s32 @!p0 $0x300  }
0x134: {  	[spmem:s5] =	stream.indirect.scatter.add.f32 @!p0 [tilespmem:s4], [sflag:$0xB], $0x80, s13, s9, $0xb8;
	[tilespmem:$0x1E400] =	vst v63  }
0x135: {  	s4 =	simm.s32 @!p0 $0xA  }
0x136: {  	_ =	swait.ge @!p0 [sflag:s4], $0x2800  }
0x137: {  	[sflag:s4] =	ssyncset.done @!p0 $0x0  }
0x138: {  	s9 =	simm.s32 @!p0 $0x1;
	[sflag:s4] =	ssyncadd.s32 @!p0 $0xFFFFD800  }
0x139: {  	_ =	swait.ge @!p0 [sflag:s9], $0x50  }
0x13a: {  	[sflag:s9] =	ssyncset.done @!p0 $0x0  }
0x13b: {  	[sflag:s9] =	ssyncadd.s32 @!p0 $0xFFFFFFB0  }
0x13c: {  	_ =	swait.ge @!p0 [sflag:s9], $0x50  }
0x13d: {  	[sflag:s9] =	ssyncset.done @!p0 $0x0  }
0x13e: {  	s4 =	simm.s32 @!p0 $0x400;
	[sflag:s9] =	ssyncadd.s32 @!p0 $0xFFFFFFB0;
	s9 =	simm.s32 @!p0 $0x28  }
0x13f: {  	[tilespmem:s4], [sflag:$0x5] =	stream.indirect.gather @!p0 [hbm4b:s1+s9], $0x80, s2, s9, $0xb8;
	[tilespmem:$0x1E400] =	vst v63  }
0x140: {  	s13 =	simm.s32 @!p0 $0x1800;
	s4 =	rddreg [dreg:$0x6]  }
0x141: {  	[tilespmem:s13], [sflag:$0x5] =	stream.indirect.gather @!p0 [hbm4b:s1+s9], $0x80, s9, s9, $0xb8;
	[tilespmem:$0x1E400] =	vst v63  }
0x142: {  	s4 =	sadd.s32 @!p0 s24, s4;
	s9 =	rddreg [dreg:$0x5];
	s13 =	simm.s32 @!p0 $0x80  }
0x143: {  	[tilespmem:s13], [sflag:$0x2] =	stream.linear.gather @!p0 [hbm4b:s4+s2], $0x50, $0x38;
	[tilespmem:$0x1E400] =	vst v63  }
0x144: {  	s4 =	sadd.s32 @!p0 s24, s9;
	s9 =	simm.s32 @!p0 $0x280  }
0x145: {  	[tilespmem:s9], [sflag:$0x2] =	stream.linear.gather @!p0 [hbm4b:s4+s2], $0x50, $0x38;
	[tilespmem:$0x1E400] =	vst v63  }
0x146: {  	_ =	swait.ge [sflag:s22], $0x1400  }
0x147: {  	[sflag:s22] =	ssyncset.done $0x0  }
0x148: {  	[sflag:s22] =	ssyncadd.s32 $0xFFFFEC00  }
0x149: {  	_ =	swait.ge [sflag:s22], $0x1400  }
0x14a: {  	[sflag:s22] =	ssyncset.done $0x0  }
0x14b: {  	s21 =	simm.s32 $0xB;
	[sflag:s22] =	ssyncadd.s32 $0xFFFFEC00  }
0x14c: {  	[spmem:s5] =	stream.indirect.scatter.add.f32 [tilespmem:s15], [sflag:$0xC], $0x80, s12, s18, $0xb8;
	[tilespmem:$0x1E400] =	vst v63  }
0x14d: {  	_ =	swait.ge [sflag:s21], $0x2800  }
0x14e: {  	[sflag:s21] =	ssyncset.done $0x0  }
0x14f: {  	s23 =	simm.s32 $0xC;
	[sflag:s21] =	ssyncadd.s32 $0xFFFFD800  }
0x150: {  	_ =	swait.ge [sflag:s23], $0x2800  }
0x151: {  	[sflag:s23] =	ssyncset.done $0x0  }
0x152: {  	s11 =	simm.s32 $0xD;
	s24 =	rddreg [dreg:$0x1f];
	[sflag:s23] =	ssyncadd.s32 $0xFFFFD800  }
0x153: {  	[tilespmem:s6], [sflag:$0xD] =	stream.linear.gather [hbm4b:s24+s6], $0x50, $0x38;
	[tilespmem:$0x1E400] =	vst v63  }
0x154: {  	_ =	swait.ge [sflag:s11], $0x50  }
0x155: {  	s25 =	sld [smem:$0x7F2]  }
0x156: {  	[sflag:s11] =	ssyncset.done $0x0  }
0x157: {  	s26 =	simm.s32 $0x200;
	[sflag:s11] =	ssyncadd.s32 $0xFFFFFFB0  }
0x158: {  	[tilespmem:s26], [sflag:$0xD] =	stream.linear.gather [hbm4b:s25+s6], $0x50, $0x38;
	[tilespmem:$0x1E400] =	vst v63  }
0x159: {  	_ =	swait.ge [sflag:s11], $0x50  }
0x15a: {  	[sflag:s11] =	ssyncset.done $0x0  }
0x15b: {  	s8 =	simm.s32 $0x400;
	[sflag:s11] =	ssyncadd.s32 $0xFFFFFFB0  }
0x15c: {  	[tilespmem:s8], [sflag:$0x5] =	stream.indirect.gather [hbm4b:s1+s18], $0x80, s6, s18, $0xb8;
	[tilespmem:$0x1E400] =	vst v63  }
0x15d: {  	_ =	swait.ge [sflag:s17], $0x2800  }
0x15e: {  	[sflag:s17] =	ssyncset.done $0x0  }
0x15f: {  	[sflag:s17] =	ssyncadd.s32 $0xFFFFD800  }
0x160: {  	[spmem:s5] =	stream.indirect.scatter.add.f32 [tilespmem:s8], [sflag:$0xD], $0x80, s26, s18, $0xb8;
	[tilespmem:$0x1E400] =	vst v63  }
0x161: {  	_ =	swait.ge [sflag:s11], $0x2800  }
0x162: {  	[sflag:s11] =	ssyncset.done $0x0  }
0x163: {  	[sflag:s11] =	ssyncadd.s32 $0xFFFFD800  }
0x164: {  	[bflag:$0x0] =	sbarrier.arrive $0xFFFF  }
0x165: {  	s13 =	sld [smem:$0x7FA]  }
0x166: {  	s9 =	stileid.u32  }
0x167: {  	s2 =	sshll.u32 s9, $0x6  }
0x168: {  	s2 =	sor.u32 $0x1C05, s2;
	s15 =	rddreg [dreg:$0x13];
	s12 =	sshrl.u32 s13, $0x3  }
0x169: {  	[hbm:s15], [sflag:s2] =	dma.local [spmem:s12], $0x500  }
0x16a: {  	s9 =	sld [smem:$0x7F8];
	_ =	sdelay $0x1  }
0x16b: {  	s4 =	rddreg [dreg:$0x14]  }
0x16c: {  	[hbm:s4], [sflag:s2] =	dma.local [spmem:s9], $0x500  }
0x16d: {  	s23 =	sld [smem:$0x7FB];
	_ =	sdelay $0x2  }
0x16e: {  	s9 =	rddreg [dreg:$0x15];
	s16 =	sshrl.u32 s23, $0x3  }
0x16f: {  	[hbm:s9], [sflag:s2] =	dma.local [spmem:s16], $0x500  }
0x170: {  	s26 =	sld [smem:$0x7FC];
	_ =	sdelay $0x2  }
0x171: {  	s9 =	rddreg [dreg:$0x16];
	s21 =	sshrl.u32 s26, $0x3  }
0x172: {  	[hbm:s9], [sflag:s2] =	dma.local [spmem:s21], $0x500  }
0x173: {  	s28 =	sld [smem:$0x7FD];
	_ =	sdelay $0x2  }
0x174: {  	s9 =	rddreg [dreg:$0x17];
	s24 =	sshrl.u32 s28, $0x3  }
0x175: {  	[hbm:s9], [sflag:s2] =	dma.local [spmem:s24], $0x500  }
0x176: {  	s4 =	sld [smem:$0x7F3];
	_ =	sdelay $0x2  }
0x177: {  	s9 =	rddreg [dreg:$0x18];
	s4 =	sshrl.u32 s4, $0x3  }
0x178: {  	[hbm:s9], [sflag:s2] =	dma.local [spmem:s4], $0x500  }
0x179: {  	s4 =	sld [smem:$0x7F4];
	_ =	sdelay $0x2  }
0x17a: {  	s9 =	rddreg [dreg:$0x19];
	s4 =	sshrl.u32 s4, $0x3  }
0x17b: {  	[hbm:s9], [sflag:s2] =	dma.local [spmem:s4], $0x500  }
0x17c: {  	s4 =	sld [smem:$0x7F5];
	_ =	sdelay $0x2  }
0x17d: {  	s9 =	rddreg [dreg:$0x1a];
	s4 =	sshrl.u32 s4, $0x3  }
0x17e: {  	[hbm:s9], [sflag:s2] =	dma.local [spmem:s4], $0x500  }
0x17f: {  	_ =	swait.ge [sflag:s17], $0x500  }
0x180: {  	[sflag:s17] =	ssyncset.done $0x0  }
0x181: {  	[sflag:s17] =	ssyncadd.s32 $0xFFFFFB00  }
0x182: {  	_ =	swait.ge [sflag:s17], $0x500  }
0x183: {  	[sflag:s17] =	ssyncset.done $0x0  }
0x184: {  	[sflag:s17] =	ssyncadd.s32 $0xFFFFFB00  }
0x185: {  	_ =	swait.ge [sflag:s17], $0x500  }
0x186: {  	[sflag:s17] =	ssyncset.done $0x0  }
0x187: {  	[sflag:s17] =	ssyncadd.s32 $0xFFFFFB00  }
0x188: {  	_ =	swait.ge [sflag:s17], $0x500  }
0x189: {  	[sflag:s17] =	ssyncset.done $0x0  }
0x18a: {  	[sflag:s17] =	ssyncadd.s32 $0xFFFFFB00  }
0x18b: {  	_ =	swait.ge [sflag:s17], $0x500  }
0x18c: {  	[sflag:s17] =	ssyncset.done $0x0  }
0x18d: {  	[sflag:s17] =	ssyncadd.s32 $0xFFFFFB00  }
0x18e: {  	_ =	swait.ge [sflag:s17], $0x500  }
0x18f: {  	[sflag:s17] =	ssyncset.done $0x0  }
0x190: {  	[sflag:s17] =	ssyncadd.s32 $0xFFFFFB00  }
0x191: {  	_ =	swait.ge [sflag:s17], $0x500  }
0x192: {  	[sflag:s17] =	ssyncset.done $0x0  }
0x193: {  	[sflag:s17] =	ssyncadd.s32 $0xFFFFFB00  }
0x194: {  	_ =	swait.ge [sflag:s17], $0x500  }
0x195: {  	s21 =	sld [smem:$0x7F1]  }
0x196: {  	s25 =	sld [smem:$0x7F6];
	_ =	sdelay $0x1  }
0x197: {  	s21 =	sadd.s32 $0x1, s21  }
0x198: {  	p0 =	sne.s32 s21, s25  }
.Ltmp2:
0x199: {  	_ = 	snop;
	(pc) =	sbr.rel @p0 .LBB2_1-.Ltmp2, $4  }
0x19a: {  	_ = 	snop  }
0x19b: {  	s8 =	simm.s32 $0x80;
	s12 =	simm.s32 $0x7C00;
	s4 =	smov.u32 s7  }
0x19c: {  	s7 =	simm.s32 $0x200;
	s2 =	simm.s32 $0x280;
	[sflag:s17] =	ssyncset.done $0x0  }
0x19d: {  	s9 =	simm.s32 $0x400;
	[sflag:s17] =	ssyncadd.s32 $0xFFFFFB00;
	s25 =	smov.u32 s0  }
0x19e: {  	_ =	sfence.sel $0x180000  }
0x19f: {  	[bflag:$0x0] =	sbarrier.arrive $0xFFFF  }
0x1a0: {  	_ =	strace $0x90000047  }
0x1a1: {  	s0 =	stileid.u32;
	[bflag:$0x2] =	sbarrier.arrive $0xFFFF  }
0x1a2: {  	p0 =	sne.s32 s0, $0x0;
	s0 =	rddreg [dreg:$0x4]  }
0x1a3: {  	s0 =	sadd.s32 @!p0 $0x100000, s0  }
0x1a4: {  	[sflag:s0] =	ssyncadd.tile.s32 @!p0 $0x1;
	_ =	shalt  }
.Lfunc_end2:
_tile_overlayer_lowered:
.L_overlay_start_2:
0x1a5: {  	(tag) =	ssettag $0x2  }
0x1a6: {  	s0 =	rddreg [dreg:$0x0];
	s2 =	stileid.u32  }
0x1a7: {  	s1 =	rddreg [dreg:$0x1];
	p0 =	sne.s32 s2, $0x0  }
0x1a8: {  	s3 =	rddreg [dreg:$0x2];
	[bflag:$0x3] =	sbarrier.arrive $0xFFFF;
	s2 =	simm.s32 @!p0 $0x1C0D  }
0x1a9: {  	[timem:s3], [sflag:s2] =	dma.local @!p0 [hbm:s0], s1  }
0x1aa: {  	s0 =	simm.s32 @!p0 $0xD  }
0x1ab: {  	_ =	swait.ge @!p0 [sflag:s0], s1  }
0x1ac: {  	s1 =	ssub.s32 @!p0 $0x0, s1;
	[sflag:s0] =	ssyncset.done @!p0 $0x0  }
0x1ad: {  	[sflag:s0] =	ssyncadd.s32 @!p0 s1  }
0x1ae: {  	[bflag:$0x3] =	sbarrier.arrive $0xFFFF  }
0x1af: {  	_ =	shalt  }

</sc_bundles>
